<compile_context>
chip_gen: v7x
topology: tpu7x:2x2x1
jax: 0.10.2.dev20260603
libtpu: 0.0.44.dev20260713+nightly
codegen_flags: <defaults>
</compile_context>

<pallas_src>
import functools

import jax
import jax.numpy as jnp
from jax import lax
from jax.experimental import pallas as pl
from jax.experimental.pallas import tpu as pltpu
from jax.experimental.pallas import tpu_sc as plsc

_N = 10000
_NPAD = 10240
_E = 160000
_D = 256
_DH = 128
_G = 64
_NS = 16
_NW = 2 * _NS
_C = 128
_NCH = _E // _C
_CPW = _NCH // _NW
_CPT = _NCH // _NS
_ZPT = _NPAD // _NS
_R0 = 624
_R15 = _N - 15 * _R0

_mesh = lambda: plsc.VectorSubcoreMesh(core_axis_name="c", subcore_axis_name="s")
_HIGH = lax.Precision.HIGHEST


def _off(v):
    return pl.multiple_of(v, _C)


_EPAD = 163840
_CW = _EPAD // _NS // _C // 2
_CT = _EPAD // _NS // _C


def _sc_deg(dst3s, zeros_, ones2):
    @functools.partial(
        pl.kernel,
        out_type=[jax.ShapeDtypeStruct((_NPAD,), jnp.float32)] * 2,
        mesh=_mesh(),
        scratch_types=[
            pltpu.VMEM_SHARED((_NPAD,), jnp.float32),
            pltpu.VMEM((_ZPT,), jnp.float32),
            pltpu.VMEM((_CW, _C), jnp.int32),
            pltpu.VMEM((_C,), jnp.float32),
        ],
    )
    def k(dst_hbm, zeros_hbm, ones_hbm, degA_hbm, degB_hbm,
          acc, zbuf, didx, vals):
        c = lax.axis_index("c")
        s = lax.axis_index("s")
        w = c * _NS + s
        pltpu.sync_copy(zeros_hbm, zbuf)
        pltpu.sync_copy(zbuf, acc.at[pl.ds(_off(s * _ZPT), _ZPT)])
        pltpu.sync_copy(ones_hbm, vals)
        pltpu.sync_copy(dst_hbm.at[w], didx)
        plsc.subcore_barrier()

        @pl.loop(0, _CW)
        def _(j):
            pltpu.sync_copy(vals, acc.at[didx.at[j]], add=True)

        plsc.subcore_barrier()

        def out(dest):
            pltpu.sync_copy(acc.at[pl.ds(_off(s * _ZPT), _ZPT)], zbuf)
            pltpu.sync_copy(zbuf, dest.at[pl.ds(_off(s * _ZPT), _ZPT)])

        @pl.when(c == 0)
        def _():
            out(degA_hbm)

        @pl.when(c == 1)
        def _():
            out(degB_hbm)

    return k(dst3s, zeros_, ones2)


def _sc_agg(uA, uB, src1, dst1):
    @functools.partial(
        pl.kernel,
        out_type=[jax.ShapeDtypeStruct((_N, _DH), jnp.float32)] * 2,
        mesh=_mesh(),
        scratch_types=[
            pltpu.VMEM_SHARED((_N + 16, _DH), jnp.float32),
            pltpu.VMEM((_C,), jnp.int32),
            pltpu.VMEM((_C,), jnp.int32),
            pltpu.VMEM((_C, _DH), jnp.float32),
        ],
    )
    def k(uA_hbm, uB_hbm, src_hbm, dst_hbm, s1A_hbm, s1B_hbm,
          acc, sidx, didx, rowsA):
        c = lax.axis_index("c")
        s = lax.axis_index("s")

        def xfer_rows(src_big, dst_big):
            @pl.loop(0, 5)
            def _(j):
                i = s * 5 + j

                @pl.when(i < (_N // _C))
                def _():
                    o = pl.multiple_of(i * _C, 8)
                    pltpu.sync_copy(src_big.at[pl.ds(o, _C)], rowsA)
                    pltpu.sync_copy(rowsA, dst_big.at[pl.ds(o, _C)])

            @pl.when(s == _NS - 1)
            def _():
                o = (_N // _C) * _C
                t = _N - o
                pltpu.sync_copy(src_big.at[pl.ds(o, t)], rowsA.at[pl.ds(0, t)])
                pltpu.sync_copy(rowsA.at[pl.ds(0, t)], dst_big.at[pl.ds(o, t)])

        def run(u_hbm, out_hbm):
            xfer_rows(u_hbm, acc)
            plsc.subcore_barrier()
            base = s * (_CT * _C)

            @pl.loop(0, _CT)
            def _(j):
                o = _off(base + j * _C)
                pltpu.sync_copy(src_hbm.at[pl.ds(o, _C)], sidx)
                pltpu.sync_copy(dst_hbm.at[pl.ds(o, _C)], didx)
                pltpu.sync_copy(u_hbm.at[sidx], rowsA)
                pltpu.sync_copy(rowsA, acc.at[didx], add=True)

            plsc.subcore_barrier()
            xfer_rows(acc, out_hbm)

        @pl.when(c == 0)
        def _():
            run(uA_hbm, s1A_hbm)

        @pl.when(c == 1)
        def _():
            run(uB_hbm, s1B_hbm)

    return k(uA, uB, src1, dst1)


def _sc_agg1(zz, src3s, dst3s, zeros_):
    @functools.partial(
        pl.kernel,
        out_type=[jax.ShapeDtypeStruct((_NPAD,), jnp.float32)] * 2,
        mesh=_mesh(),
        scratch_types=[
            pltpu.VMEM_SHARED((_NPAD,), jnp.float32),
            pltpu.VMEM((_ZPT,), jnp.float32),
            pltpu.VMEM((_CW, _C), jnp.int32),
            pltpu.VMEM((_CW, _C), jnp.int32),
            pltpu.VMEM((_CW, _C), jnp.float32),
        ],
    )
    def k(zz_hbm, src_hbm, dst_hbm, zeros_hbm, s2A_hbm, s2B_hbm,
          acc, zbuf, sidx, didx, vals):
        c = lax.axis_index("c")
        s = lax.axis_index("s")
        w = c * _NS + s
        pltpu.sync_copy(zeros_hbm, zbuf)
        pltpu.sync_copy(zbuf, acc.at[pl.ds(_off(s * _ZPT), _ZPT)])
        pltpu.sync_copy(src_hbm.at[w], sidx)
        pltpu.sync_copy(dst_hbm.at[w], didx)
        plsc.subcore_barrier()

        @pl.loop(0, _CW)
        def _(j):
            pltpu.sync_copy(zz_hbm.at[sidx.at[j]], vals.at[j])
            pltpu.sync_copy(vals.at[j], acc.at[didx.at[j]], add=True)

        plsc.subcore_barrier()

        def out(dest):
            pltpu.sync_copy(acc.at[pl.ds(_off(s * _ZPT), _ZPT)], zbuf)
            pltpu.sync_copy(zbuf, dest.at[pl.ds(_off(s * _ZPT), _ZPT)])

        @pl.when(c == 0)
        def _():
            out(s2A_hbm)

        @pl.when(c == 1)
        def _():
            out(s2B_hbm)

    return k(zz, src3s, dst3s, zeros_)


_NB = 2000


def _tc1_body(dA_ref, dB_ref, x_ref, w1_ref, uA_ref, uB_ref):
    deg = dA_ref[...] + dB_ref[...] + 1.0
    dinv = lax.rsqrt(deg)
    y = x_ref[...] * dinv
    u = jnp.dot(y, w1_ref[...], precision=_HIGH,
                preferred_element_type=jnp.float32)
    uA_ref[...] = u[:, :_DH]
    uB_ref[...] = u[:, _DH:]


def _tc1(dAc, dBc, x, W1):
    col = pl.BlockSpec((_NB, 1), lambda i: (i, 0))
    return pl.pallas_call(
        _tc1_body,
        grid=(_N // _NB,),
        in_specs=[col, col,
                  pl.BlockSpec((_NB, _D), lambda i: (i, 0)),
                  pl.BlockSpec((_D, _D), lambda i: (0, 0))],
        out_specs=[pl.BlockSpec((_NB, _DH), lambda i: (i, 0))] * 2,
        out_shape=[jax.ShapeDtypeStruct((_N, _DH), jnp.float32)] * 2,
    )(dAc, dBc, x, W1)


def _tc2_body(dA_ref, dB_ref, s1A_ref, s1B_ref, b1_ref, w2_ref, wlin_ref,
              zz_ref):
    deg = dA_ref[...] + dB_ref[...] + 1.0
    dinv = lax.rsqrt(deg)
    b1 = b1_ref[...]
    hA = jnp.maximum(dinv * s1A_ref[...] + b1[None, :_DH], 0.0)
    hB = jnp.maximum(dinv * s1B_ref[...] + b1[None, _DH:], 0.0)
    w2l = jnp.dot(w2_ref[...], wlin_ref[...], precision=_HIGH,
                  preferred_element_type=jnp.float32)
    z = (jnp.dot(hA, w2l[:_DH], precision=_HIGH,
                 preferred_element_type=jnp.float32)
         + jnp.dot(hB, w2l[_DH:], precision=_HIGH,
                   preferred_element_type=jnp.float32))
    zz_ref[...] = dinv * z


def _tc2(dAc, dBc, s1A, s1B, b1, W2, Wlin):
    col = pl.BlockSpec((_NB, 1), lambda i: (i, 0))
    half = pl.BlockSpec((_NB, _DH), lambda i: (i, 0))
    return pl.pallas_call(
        _tc2_body,
        grid=(_N // _NB,),
        in_specs=[col, col, half, half,
                  pl.BlockSpec((_D,), lambda i: (0,)),
                  pl.BlockSpec((_D, _D), lambda i: (0, 0)),
                  pl.BlockSpec((_D, 1), lambda i: (0, 0))],
        out_specs=col,
        out_shape=jax.ShapeDtypeStruct((_N, 1), jnp.float32),
    )(dAc, dBc, s1A, s1B, b1, W2, Wlin)


def _tc3_body(dA_ref, dB_ref, s2A_ref, s2B_ref, zz_ref, batch_ref, b2_ref,
              wlin_ref, blin_ref, out_ref, pacc, cacc):
    i = pl.program_id(0)
    deg = dA_ref[...] + dB_ref[...] + 1.0
    dinv = lax.rsqrt(deg)
    a2 = dinv * (s2A_ref[...] + s2B_ref[...] + zz_ref[...])
    gids = lax.broadcasted_iota(jnp.int32, (_NB, _G), 1)
    onehot = (batch_ref[...] == gids).astype(jnp.float32)

    @pl.when(i == 0)
    def _():
        pacc[...] = jnp.zeros((1, _G), jnp.float32)
        cacc[...] = jnp.zeros((1, _G), jnp.float32)

    pacc[...] += jnp.sum(a2 * onehot, axis=0, keepdims=True)
    cacc[...] += jnp.sum(onehot, axis=0, keepdims=True)

    @pl.when(i == _N // _NB - 1)
    def _():
        c2 = jnp.dot(b2_ref[...][None, :], wlin_ref[...], precision=_HIGH,
                     preferred_element_type=jnp.float32)
        counts = cacc[...]
        out_ref[...] = (pacc[...] / jnp.maximum(counts, 1.0)
                        + jnp.minimum(counts, 1.0) * c2
                        + blin_ref[...][None, :])


def _tc3(dAc, dBc, s2Ac, s2Bc, zzcol, batchcol, b2, Wlin, blin):
    col = pl.BlockSpec((_NB, 1), lambda i: (i, 0))
    return pl.pallas_call(
        _tc3_body,
        grid=(_N // _NB,),
        in_specs=[col, col, col, col, col, col,
                  pl.BlockSpec((_D,), lambda i: (0,)),
                  pl.BlockSpec((_D, 1), lambda i: (0, 0)),
                  pl.BlockSpec((1,), lambda i: (0,))],
        out_specs=pl.BlockSpec((1, _G), lambda i: (0, 0)),
        out_shape=jax.ShapeDtypeStruct((1, _G), jnp.float32),
        scratch_shapes=[pltpu.VMEM((1, _G), jnp.float32),
                        pltpu.VMEM((1, _G), jnp.float32)],
    )(dAc, dBc, s2Ac, s2Bc, zzcol, batchcol, b2, Wlin, blin)


def kernel(x, edge_index, batch, W1, b1, W2, b2, Wlin, blin):
    srcp = jnp.pad(edge_index[0], (0, _EPAD - _E))
    dstp = jnp.pad(edge_index[1], (0, _EPAD - _E), constant_values=_N)
    src3s = jnp.reshape(srcp, (_NW, _CW, _C))
    dst3s = jnp.reshape(dstp, (_NW, _CW, _C))
    zeros_ = jnp.zeros((_ZPT,), jnp.float32)
    ones_ = jnp.ones((_C,), jnp.float32)

    degA, degB = _sc_deg(dst3s, zeros_, ones_)
    dAc = jnp.reshape(degA, (_NPAD, 1))[:_N]
    dBc = jnp.reshape(degB, (_NPAD, 1))[:_N]

    uA, uB = _tc1(dAc, dBc, x, W1)
    s1A, s1B = _sc_agg(uA, uB, srcp, dstp)
    zzcol = _tc2(dAc, dBc, s1A, s1B, b1, W2, Wlin)

    zzflat = jnp.reshape(zzcol, (_N,))
    s2A, s2B = _sc_agg1(zzflat, src3s, dst3s, zeros_)

    out = _tc3(dAc, dBc, jnp.reshape(s2A, (_NPAD, 1))[:_N],
               jnp.reshape(s2B, (_NPAD, 1))[:_N], zzcol,
               batch[:, None], b2, Wlin, blin)
    return jnp.reshape(out, (_G, 1))

# --- scband reference (transcript-rebuilt; emitter-appended) ---
"""Pipeline reference for scband-py-gbasic-graph-model-48146583388496 (READ-ONLY COPY).

The authoritative reference and input builder live on the scoring server;
editing this copy changes nothing except your own understanding.
"""

import jax, jax.numpy as jnp
import numpy as np

N = 10000
E = 160000
D = 256
H = 256
G = 64


def setup_inputs(seed: int = 0) -> dict:
    key = jax.random.key(seed)
    ks = jax.random.split(key, 10)
    x = jax.random.normal(ks[0], (N, D), dtype=jnp.float32)
    edge_index = jax.random.randint(ks[1], (2, E), 0, N, dtype=jnp.int32)
    batch = jnp.sort(jax.random.randint(ks[2], (N,), 0, G, dtype=jnp.int32))
    W1 = jax.random.normal(ks[3], (D, H), dtype=jnp.float32) * (1.0 / np.sqrt(D))
    b1 = jnp.zeros((H,), dtype=jnp.float32)
    W2 = jax.random.normal(ks[4], (H, H), dtype=jnp.float32) * (1.0 / np.sqrt(H))
    b2 = jnp.zeros((H,), dtype=jnp.float32)
    Wlin = jax.random.normal(ks[5], (H, 1), dtype=jnp.float32) * (1.0 / np.sqrt(H))
    blin = jnp.zeros((1,), dtype=jnp.float32)
    return {"x": x, "edge_index": edge_index, "batch": batch,
            "W1": W1, "b1": b1, "W2": W2, "b2": b2,
            "Wlin": Wlin, "blin": blin}


def _gcn_conv(x, src, dst, W, b):
    # GCNConv with self-loops and symmetric normalization (PyG default)
    loop = jnp.arange(N, dtype=src.dtype)
    src2 = jnp.concatenate([src, loop])
    dst2 = jnp.concatenate([dst, loop])
    ones = jnp.ones(src2.shape[0], dtype=x.dtype)
    deg = jax.ops.segment_sum(ones, dst2, num_segments=N)
    dinv = jax.lax.rsqrt(jnp.maximum(deg, 1.0))
    norm = dinv[src2] * dinv[dst2]
    msg = jnp.take(x, src2, axis=0) * norm[:, None]
    agg = jax.ops.segment_sum(msg, dst2, num_segments=N)
    return agg @ W + b


def reference(x, edge_index, batch, W1, b1, W2, b2, Wlin, blin):
    src = edge_index[0]
    dst = edge_index[1]
    # inner_model_: 2-layer GCN with ReLU between layers
    h = jax.nn.relu(_gcn_conv(x, src, dst, W1, b1))
    h = _gcn_conv(h, src, dst, W2, b2)
    # global_mean_pool over graph-ids in `batch`
    counts = jax.ops.segment_sum(jnp.ones((N,), dtype=h.dtype), batch, num_segments=G)
    summed = jax.ops.segment_sum(h, batch, num_segments=G)
    pooled = summed / jnp.maximum(counts, 1.0)[:, None]
    # final linear head -> [G, 1]
    out = pooled @ Wlin + blin
    return out

if __name__ == "__main__":
    import jax
    _d = setup_inputs()
    print(jax.jit(kernel)(*tuple(_d.values())))

</pallas_src>

<mosaic_0001>
#map = affine_map<(d0, d1) -> (0)>
#map1 = affine_map<(d0, d1) -> (0, 0, 0)>
module attributes {stable_mosaic.version = 14 : i64} {
  func.func @k(%arg0: i32, %arg1: i32, %arg2: memref<10000xf32, #tpu.memory_space<hbm>>, %arg3: memref<32x40x128xi32, #tpu.memory_space<hbm>>, %arg4: memref<32x40x128xi32, #tpu.memory_space<hbm>>, %arg5: memref<640xf32, #tpu.memory_space<hbm>>, %arg6: memref<10240xf32, #tpu.memory_space<hbm>>, %arg7: memref<10240xf32, #tpu.memory_space<hbm>>, %arg8: memref<10240xf32, #tpu.memory_space<vmem_shared>>, %arg9: memref<640xf32, #tpu.memory_space<vmem>>, %arg10: memref<40x128xi32, #tpu.memory_space<vmem>>, %arg11: memref<40x128xi32, #tpu.memory_space<vmem>>, %arg12: memref<40x128xf32, #tpu.memory_space<vmem>>) attributes {dimension_semantics = [#tpu.dimension_semantics<core_parallel>, #tpu.dimension_semantics<subcore_parallel>], iteration_bounds = array<i64: 2, 16>, scalar_prefetch = 0 : i64, scratch_operands = 5 : i64, tpu.core_type = #tpu.core_type<sc_vector_subcore>, window_params = [{transform_indices = #map}, {transform_indices = #map1}, {transform_indices = #map1}, {transform_indices = #map}, {transform_indices = #map}, {transform_indices = #map}]} {
    %mul3A = arith.constant 16 : i32
    %mul3A_0 = arith.muli %arg0, %mul3A : i32
    %add3A = arith.addi %mul3A_0, %arg1 : i32
    "tpu.region"() ({
      %run_scoped3A = tpu.sem_alloc : memref<!tpu.dma_semaphore, #tpu.memory_space<semaphore_mem>>
      tpu.enqueue_dma source(%arg5 : memref<640xf32, #tpu.memory_space<hbm>>) target(%arg9 : memref<640xf32, #tpu.memory_space<vmem>>) target_semaphore(%run_scoped3A : memref<!tpu.dma_semaphore, #tpu.memory_space<semaphore_mem>>)
      tpu.wait_dma2 semaphore(%run_scoped3A : memref<!tpu.dma_semaphore, #tpu.memory_space<semaphore_mem>>) src(%arg5 : memref<640xf32, #tpu.memory_space<hbm>>) dst(%arg9 : memref<640xf32, #tpu.memory_space<vmem>>)
      tpu.yield
    }) : () -> ()
    %mul3A_1 = arith.constant 640 : i32
    %mul3A_2 = arith.muli %arg1, %mul3A_1 : i32
    %multiple_of3A = tpu.assume_multiple %mul3A_2, 128 : i32
    "tpu.region"() ({
      %run_scoped3A = tpu.sem_alloc : memref<!tpu.dma_semaphore, #tpu.memory_space<semaphore_mem>>
      %dma_start3A = tpu.memref_slice %arg8[%multiple_of3A] : memref<10240xf32, #tpu.memory_space<vmem_shared>> -> memref<640xf32, #tpu.memory_space<vmem_shared>>
      %dma_start3A_15 = tpu.memref_slice %arg8[%multiple_of3A] : memref<10240xf32, #tpu.memory_space<vmem_shared>> -> memref<640xf32, #tpu.memory_space<vmem_shared>>
      tpu.enqueue_dma source(%arg9 : memref<640xf32, #tpu.memory_space<vmem>>) target(%dma_start3A_15 : memref<640xf32, #tpu.memory_space<vmem_shared>>) target_semaphore(%run_scoped3A : memref<!tpu.dma_semaphore, #tpu.memory_space<semaphore_mem>>)
      %dma_wait3A = tpu.memref_slice %arg8[%multiple_of3A] : memref<10240xf32, #tpu.memory_space<vmem_shared>> -> memref<640xf32, #tpu.memory_space<vmem_shared>>
      %dma_wait3A_16 = tpu.memref_slice %arg8[%multiple_of3A] : memref<10240xf32, #tpu.memory_space<vmem_shared>> -> memref<640xf32, #tpu.memory_space<vmem_shared>>
      tpu.wait_dma2 semaphore(%run_scoped3A : memref<!tpu.dma_semaphore, #tpu.memory_space<semaphore_mem>>) src(%arg9 : memref<640xf32, #tpu.memory_space<vmem>>) dst(%dma_wait3A_16 : memref<640xf32, #tpu.memory_space<vmem_shared>>)
      tpu.yield
    }) : () -> ()
    "tpu.region"() ({
      %run_scoped3A = tpu.sem_alloc : memref<!tpu.dma_semaphore, #tpu.memory_space<semaphore_mem>>
      %dma_start3A = arith.constant 0 : i32
      %dma_start3A_15 = arith.constant 0 : i32
      %dma_start3A_16 = tpu.memref_slice %arg3[%add3A, %dma_start3A, %dma_start3A_15] : memref<32x40x128xi32, #tpu.memory_space<hbm>> -> memref<1x40x128xi32, #tpu.memory_space<hbm>>
      %dma_start3A_17 = tpu.memref_squeeze %dma_start3A_16 : memref<1x40x128xi32, #tpu.memory_space<hbm>> -> memref<40x128xi32, #tpu.memory_space<hbm>>
      %dma_start3A_18 = arith.constant 0 : i32
      %dma_start3A_19 = arith.constant 0 : i32
      %dma_start3A_20 = tpu.memref_slice %arg3[%add3A, %dma_start3A_18, %dma_start3A_19] : memref<32x40x128xi32, #tpu.memory_space<hbm>> -> memref<1x40x128xi32, #tpu.memory_space<hbm>>
      %dma_start3A_21 = tpu.memref_squeeze %dma_start3A_20 : memref<1x40x128xi32, #tpu.memory_space<hbm>> -> memref<40x128xi32, #tpu.memory_space<hbm>>
      tpu.enqueue_dma source(%dma_start3A_21 : memref<40x128xi32, #tpu.memory_space<hbm>>) target(%arg10 : memref<40x128xi32, #tpu.memory_space<vmem>>) target_semaphore(%run_scoped3A : memref<!tpu.dma_semaphore, #tpu.memory_space<semaphore_mem>>)
      %dma_wait3A = arith.constant 0 : i32
      %dma_wait3A_22 = arith.constant 0 : i32
      %dma_wait3A_23 = tpu.memref_slice %arg3[%add3A, %dma_wait3A, %dma_wait3A_22] : memref<32x40x128xi32, #tpu.memory_space<hbm>> -> memref<1x40x128xi32, #tpu.memory_space<hbm>>
      %dma_wait3A_24 = tpu.memref_squeeze %dma_wait3A_23 : memref<1x40x128xi32, #tpu.memory_space<hbm>> -> memref<40x128xi32, #tpu.memory_space<hbm>>
      %dma_wait3A_25 = arith.constant 0 : i32
      %dma_wait3A_26 = arith.constant 0 : i32
      %dma_wait3A_27 = tpu.memref_slice %arg3[%add3A, %dma_wait3A_25, %dma_wait3A_26] : memref<32x40x128xi32, #tpu.memory_space<hbm>> -> memref<1x40x128xi32, #tpu.memory_space<hbm>>
      %dma_wait3A_28 = tpu.memref_squeeze %dma_wait3A_27 : memref<1x40x128xi32, #tpu.memory_space<hbm>> -> memref<40x128xi32, #tpu.memory_space<hbm>>
      tpu.wait_dma2 semaphore(%run_scoped3A : memref<!tpu.dma_semaphore, #tpu.memory_space<semaphore_mem>>) src(%dma_wait3A_28 : memref<40x128xi32, #tpu.memory_space<hbm>>) dst(%arg10 : memref<40x128xi32, #tpu.memory_space<vmem>>)
      tpu.yield
    }) : () -> ()
    "tpu.region"() ({
      %run_scoped3A = tpu.sem_alloc : memref<!tpu.dma_semaphore, #tpu.memory_space<semaphore_mem>>
      %dma_start3A = arith.constant 0 : i32
      %dma_start3A_15 = arith.constant 0 : i32
      %dma_start3A_16 = tpu.memref_slice %arg4[%add3A, %dma_start3A, %dma_start3A_15] : memref<32x40x128xi32, #tpu.memory_space<hbm>> -> memref<1x40x128xi32, #tpu.memory_space<hbm>>
      %dma_start3A_17 = tpu.memref_squeeze %dma_start3A_16 : memref<1x40x128xi32, #tpu.memory_space<hbm>> -> memref<40x128xi32, #tpu.memory_space<hbm>>
      %dma_start3A_18 = arith.constant 0 : i32
      %dma_start3A_19 = arith.constant 0 : i32
      %dma_start3A_20 = tpu.memref_slice %arg4[%add3A, %dma_start3A_18, %dma_start3A_19] : memref<32x40x128xi32, #tpu.memory_space<hbm>> -> memref<1x40x128xi32, #tpu.memory_space<hbm>>
      %dma_start3A_21 = tpu.memref_squeeze %dma_start3A_20 : memref<1x40x128xi32, #tpu.memory_space<hbm>> -> memref<40x128xi32, #tpu.memory_space<hbm>>
      tpu.enqueue_dma source(%dma_start3A_21 : memref<40x128xi32, #tpu.memory_space<hbm>>) target(%arg11 : memref<40x128xi32, #tpu.memory_space<vmem>>) target_semaphore(%run_scoped3A : memref<!tpu.dma_semaphore, #tpu.memory_space<semaphore_mem>>)
      %dma_wait3A = arith.constant 0 : i32
      %dma_wait3A_22 = arith.constant 0 : i32
      %dma_wait3A_23 = tpu.memref_slice %arg4[%add3A, %dma_wait3A, %dma_wait3A_22] : memref<32x40x128xi32, #tpu.memory_space<hbm>> -> memref<1x40x128xi32, #tpu.memory_space<hbm>>
      %dma_wait3A_24 = tpu.memref_squeeze %dma_wait3A_23 : memref<1x40x128xi32, #tpu.memory_space<hbm>> -> memref<40x128xi32, #tpu.memory_space<hbm>>
      %dma_wait3A_25 = arith.constant 0 : i32
      %dma_wait3A_26 = arith.constant 0 : i32
      %dma_wait3A_27 = tpu.memref_slice %arg4[%add3A, %dma_wait3A_25, %dma_wait3A_26] : memref<32x40x128xi32, #tpu.memory_space<hbm>> -> memref<1x40x128xi32, #tpu.memory_space<hbm>>
      %dma_wait3A_28 = tpu.memref_squeeze %dma_wait3A_27 : memref<1x40x128xi32, #tpu.memory_space<hbm>> -> memref<40x128xi32, #tpu.memory_space<hbm>>
      tpu.wait_dma2 semaphore(%run_scoped3A : memref<!tpu.dma_semaphore, #tpu.memory_space<semaphore_mem>>) src(%dma_wait3A_28 : memref<40x128xi32, #tpu.memory_space<hbm>>) dst(%arg11 : memref<40x128xi32, #tpu.memory_space<vmem>>)
      tpu.yield
    }) : () -> ()
    %barrier3A = arith.constant 0 : index
    tpu.barrier barrier_id(%barrier3A)
    %scan3A = arith.constant 0 : i32
    %scan3A_3 = arith.constant 40 : i32
    %scan3A_4 = arith.addi %scan3A, %scan3A_3 : i32
    %scan3A_5 = arith.constant 1 : i32
    scf.for %scan3A_15 = %scan3A to %scan3A_4 step %scan3A_5  : i32 {
      %mul3A_16 = arith.constant 1 : i32
      %mul3A_17 = arith.muli %scan3A_15, %mul3A_16 : i32
      %add3A_18 = arith.constant 0 : i32
      %add3A_19 = arith.addi %add3A_18, %mul3A_17 : i32
      "tpu.region"() ({
        %run_scoped3A = tpu.sem_alloc : memref<!tpu.dma_semaphore, #tpu.memory_space<semaphore_mem>>
        %dma_start3A = arith.constant 0 : i32
        %dma_start3A_20 = tpu.memref_slice %arg12[%add3A_19, %dma_start3A] : memref<40x128xf32, #tpu.memory_space<vmem>> -> memref<1x128xf32, #tpu.memory_space<vmem>>
        %dma_start3A_21 = tpu.memref_squeeze %dma_start3A_20 : memref<1x128xf32, #tpu.memory_space<vmem>> -> memref<128xf32, #tpu.memory_space<vmem>>
        %dma_start3A_22 = arith.constant 0 : i32
        %dma_start3A_23 = tpu.memref_slice %arg10[%add3A_19, %dma_start3A_22] : memref<40x128xi32, #tpu.memory_space<vmem>> -> memref<1x128xi32, #tpu.memory_space<vmem>>
        %dma_start3A_24 = tpu.memref_squeeze %dma_start3A_23 : memref<1x128xi32, #tpu.memory_space<vmem>> -> memref<128xi32, #tpu.memory_space<vmem>>
        %dma_start3A_25 = arith.constant 0 : i32
        %dma_start3A_26 = tpu.memref_slice %arg2[%dma_start3A_25] : memref<10000xf32, #tpu.memory_space<hbm>> -> memref<10000xf32, #tpu.memory_space<hbm>>
        tpu.enqueue_indirect_dma source(%dma_start3A_26 : memref<10000xf32, #tpu.memory_space<hbm>>) target(%dma_start3A_21 : memref<128xf32, #tpu.memory_space<vmem>>) offsets(%dma_start3A_24 : memref<128xi32, #tpu.memory_space<vmem>>) semaphore(%run_scoped3A : memref<!tpu.dma_semaphore, #tpu.memory_space<semaphore_mem>>)
        %dma_wait3A = arith.constant 0 : i32
        %dma_wait3A_27 = tpu.memref_slice %arg12[%add3A_19, %dma_wait3A] : memref<40x128xf32, #tpu.memory_space<vmem>> -> memref<1x128xf32, #tpu.memory_space<vmem>>
        %dma_wait3A_28 = tpu.memref_squeeze %dma_wait3A_27 : memref<1x128xf32, #tpu.memory_space<vmem>> -> memref<128xf32, #tpu.memory_space<vmem>>
        %dma_wait3A_29 = arith.constant 0 : i32
        %dma_wait3A_30 = tpu.memref_slice %arg10[%add3A_19, %dma_wait3A_29] : memref<40x128xi32, #tpu.memory_space<vmem>> -> memref<1x128xi32, #tpu.memory_space<vmem>>
        %dma_wait3A_31 = tpu.memref_squeeze %dma_wait3A_30 : memref<1x128xi32, #tpu.memory_space<vmem>> -> memref<128xi32, #tpu.memory_space<vmem>>
        %dma_wait3A_32 = arith.constant 0 : i32
        %dma_wait3A_33 = tpu.memref_slice %arg2[%dma_wait3A_32] : memref<10000xf32, #tpu.memory_space<hbm>> -> memref<10000xf32, #tpu.memory_space<hbm>>
        tpu.wait_indirect_dma semaphore(%run_scoped3A : memref<!tpu.dma_semaphore, #tpu.memory_space<semaphore_mem>>) src(%dma_wait3A_33 : memref<10000xf32, #tpu.memory_space<hbm>>) dst(%dma_wait3A_28 : memref<128xf32, #tpu.memory_space<vmem>>)
        tpu.yield
      }) : () -> ()
      "tpu.region"() ({
        %run_scoped3A = tpu.sem_alloc : memref<!tpu.dma_semaphore, #tpu.memory_space<semaphore_mem>>
        %dma_start3A = arith.constant 0 : i32
        %dma_start3A_20 = tpu.memref_slice %arg12[%add3A_19, %dma_start3A] : memref<40x128xf32, #tpu.memory_space<vmem>> -> memref<1x128xf32, #tpu.memory_space<vmem>>
        %dma_start3A_21 = tpu.memref_squeeze %dma_start3A_20 : memref<1x128xf32, #tpu.memory_space<vmem>> -> memref<128xf32, #tpu.memory_space<vmem>>
        %dma_start3A_22 = arith.constant 0 : i32
        %dma_start3A_23 = tpu.memref_slice %arg11[%add3A_19, %dma_start3A_22] : memref<40x128xi32, #tpu.memory_space<vmem>> -> memref<1x128xi32, #tpu.memory_space<vmem>>
        %dma_start3A_24 = tpu.memref_squeeze %dma_start3A_23 : memref<1x128xi32, #tpu.memory_space<vmem>> -> memref<128xi32, #tpu.memory_space<vmem>>
        %dma_start3A_25 = arith.constant 0 : i32
        %dma_start3A_26 = tpu.memref_slice %arg8[%dma_start3A_25] : memref<10240xf32, #tpu.memory_space<vmem_shared>> -> memref<10240xf32, #tpu.memory_space<vmem_shared>>
        tpu.enqueue_indirect_dma source(%dma_start3A_21 : memref<128xf32, #tpu.memory_space<vmem>>) target(%dma_start3A_26 : memref<10240xf32, #tpu.memory_space<vmem_shared>>) offsets(%dma_start3A_24 : memref<128xi32, #tpu.memory_space<vmem>>) semaphore(%run_scoped3A : memref<!tpu.dma_semaphore, #tpu.memory_space<semaphore_mem>>) {add = true}
        %dma_wait3A = arith.constant 0 : i32
        %dma_wait3A_27 = tpu.memref_slice %arg12[%add3A_19, %dma_wait3A] : memref<40x128xf32, #tpu.memory_space<vmem>> -> memref<1x128xf32, #tpu.memory_space<vmem>>
        %dma_wait3A_28 = tpu.memref_squeeze %dma_wait3A_27 : memref<1x128xf32, #tpu.memory_space<vmem>> -> memref<128xf32, #tpu.memory_space<vmem>>
        %dma_wait3A_29 = arith.constant 0 : i32
        %dma_wait3A_30 = tpu.memref_slice %arg11[%add3A_19, %dma_wait3A_29] : memref<40x128xi32, #tpu.memory_space<vmem>> -> memref<1x128xi32, #tpu.memory_space<vmem>>
        %dma_wait3A_31 = tpu.memref_squeeze %dma_wait3A_30 : memref<1x128xi32, #tpu.memory_space<vmem>> -> memref<128xi32, #tpu.memory_space<vmem>>
        %dma_wait3A_32 = arith.constant 0 : i32
        %dma_wait3A_33 = tpu.memref_slice %arg8[%dma_wait3A_32] : memref<10240xf32, #tpu.memory_space<vmem_shared>> -> memref<10240xf32, #tpu.memory_space<vmem_shared>>
        tpu.wait_indirect_dma semaphore(%run_scoped3A : memref<!tpu.dma_semaphore, #tpu.memory_space<semaphore_mem>>) src(%dma_wait3A_28 : memref<128xf32, #tpu.memory_space<vmem>>) dst(%dma_wait3A_33 : memref<10240xf32, #tpu.memory_space<vmem_shared>>)
        tpu.yield
      }) : () -> ()
    }
    %scan3A_6 = arith.constant 40 : i32
    %barrier3A_7 = arith.constant 0 : index
    tpu.barrier barrier_id(%barrier3A_7)
    %eq3A = arith.constant 0 : i32
    %eq3A_8 = arith.cmpi eq, %arg0, %eq3A : i32
    %convert_element_type3A = arith.extui %eq3A_8 : i1 to i32
    %cond3A = arith.constant 0 : i32
    %cond3A_9 = arith.cmpi ne, %convert_element_type3A, %cond3A : i32
    scf.if %cond3A_9 {
      %mul3A_15 = arith.constant 640 : i32
      %mul3A_16 = arith.muli %arg1, %mul3A_15 : i32
      %multiple_of3A_17 = tpu.assume_multiple %mul3A_16, 128 : i32
      "tpu.region"() ({
        %run_scoped3A = tpu.sem_alloc : memref<!tpu.dma_semaphore, #tpu.memory_space<semaphore_mem>>
        %dma_start3A = tpu.memref_slice %arg8[%multiple_of3A_17] : memref<10240xf32, #tpu.memory_space<vmem_shared>> -> memref<640xf32, #tpu.memory_space<vmem_shared>>
        %dma_start3A_21 = tpu.memref_slice %arg8[%multiple_of3A_17] : memref<10240xf32, #tpu.memory_space<vmem_shared>> -> memref<640xf32, #tpu.memory_space<vmem_shared>>
        tpu.enqueue_dma source(%dma_start3A_21 : memref<640xf32, #tpu.memory_space<vmem_shared>>) target(%arg9 : memref<640xf32, #tpu.memory_space<vmem>>) target_semaphore(%run_scoped3A : memref<!tpu.dma_semaphore, #tpu.memory_space<semaphore_mem>>)
        %dma_wait3A = tpu.memref_slice %arg8[%multiple_of3A_17] : memref<10240xf32, #tpu.memory_space<vmem_shared>> -> memref<640xf32, #tpu.memory_space<vmem_shared>>
        %dma_wait3A_22 = tpu.memref_slice %arg8[%multiple_of3A_17] : memref<10240xf32, #tpu.memory_space<vmem_shared>> -> memref<640xf32, #tpu.memory_space<vmem_shared>>
        tpu.wait_dma2 semaphore(%run_scoped3A : memref<!tpu.dma_semaphore, #tpu.memory_space<semaphore_mem>>) src(%dma_wait3A_22 : memref<640xf32, #tpu.memory_space<vmem_shared>>) dst(%arg9 : memref<640xf32, #tpu.memory_space<vmem>>)
        tpu.yield
      }) : () -> ()
      %mul3A_18 = arith.constant 640 : i32
      %mul3A_19 = arith.muli %arg1, %mul3A_18 : i32
      %multiple_of3A_20 = tpu.assume_multiple %mul3A_19, 128 : i32
      "tpu.region"() ({
        %run_scoped3A = tpu.sem_alloc : memref<!tpu.dma_semaphore, #tpu.memory_space<semaphore_mem>>
        %dma_start3A = tpu.memref_slice %arg6[%multiple_of3A_20] : memref<10240xf32, #tpu.memory_space<hbm>> -> memref<640xf32, #tpu.memory_space<hbm>>
        %dma_start3A_21 = tpu.memref_slice %arg6[%multiple_of3A_20] : memref<10240xf32, #tpu.memory_space<hbm>> -> memref<640xf32, #tpu.memory_space<hbm>>
        tpu.enqueue_dma source(%arg9 : memref<640xf32, #tpu.memory_space<vmem>>) target(%dma_start3A_21 : memref<640xf32, #tpu.memory_space<hbm>>) target_semaphore(%run_scoped3A : memref<!tpu.dma_semaphore, #tpu.memory_space<semaphore_mem>>)
        %dma_wait3A = tpu.memref_slice %arg6[%multiple_of3A_20] : memref<10240xf32, #tpu.memory_space<hbm>> -> memref<640xf32, #tpu.memory_space<hbm>>
        %dma_wait3A_22 = tpu.memref_slice %arg6[%multiple_of3A_20] : memref<10240xf32, #tpu.memory_space<hbm>> -> memref<640xf32, #tpu.memory_space<hbm>>
        tpu.wait_dma2 semaphore(%run_scoped3A : memref<!tpu.dma_semaphore, #tpu.memory_space<semaphore_mem>>) src(%arg9 : memref<640xf32, #tpu.memory_space<vmem>>) dst(%dma_wait3A_22 : memref<640xf32, #tpu.memory_space<hbm>>)
        tpu.yield
      }) : () -> ()
    } else {
    }
    %eq3A_10 = arith.constant 1 : i32
    %eq3A_11 = arith.cmpi eq, %arg0, %eq3A_10 : i32
    %convert_element_type3A_12 = arith.extui %eq3A_11 : i1 to i32
    %cond3A_13 = arith.constant 0 : i32
    %cond3A_14 = arith.cmpi ne, %convert_element_type3A_12, %cond3A_13 : i32
    scf.if %cond3A_14 {
      %mul3A_15 = arith.constant 640 : i32
      %mul3A_16 = arith.muli %arg1, %mul3A_15 : i32
      %multiple_of3A_17 = tpu.assume_multiple %mul3A_16, 128 : i32
      "tpu.region"() ({
        %run_scoped3A = tpu.sem_alloc : memref<!tpu.dma_semaphore, #tpu.memory_space<semaphore_mem>>
        %dma_start3A = tpu.memref_slice %arg8[%multiple_of3A_17] : memref<10240xf32, #tpu.memory_space<vmem_shared>> -> memref<640xf32, #tpu.memory_space<vmem_shared>>
        %dma_start3A_21 = tpu.memref_slice %arg8[%multiple_of3A_17] : memref<10240xf32, #tpu.memory_space<vmem_shared>> -> memref<640xf32, #tpu.memory_space<vmem_shared>>
        tpu.enqueue_dma source(%dma_start3A_21 : memref<640xf32, #tpu.memory_space<vmem_shared>>) target(%arg9 : memref<640xf32, #tpu.memory_space<vmem>>) target_semaphore(%run_scoped3A : memref<!tpu.dma_semaphore, #tpu.memory_space<semaphore_mem>>)
        %dma_wait3A = tpu.memref_slice %arg8[%multiple_of3A_17] : memref<10240xf32, #tpu.memory_space<vmem_shared>> -> memref<640xf32, #tpu.memory_space<vmem_shared>>
        %dma_wait3A_22 = tpu.memref_slice %arg8[%multiple_of3A_17] : memref<10240xf32, #tpu.memory_space<vmem_shared>> -> memref<640xf32, #tpu.memory_space<vmem_shared>>
        tpu.wait_dma2 semaphore(%run_scoped3A : memref<!tpu.dma_semaphore, #tpu.memory_space<semaphore_mem>>) src(%dma_wait3A_22 : memref<640xf32, #tpu.memory_space<vmem_shared>>) dst(%arg9 : memref<640xf32, #tpu.memory_space<vmem>>)
        tpu.yield
      }) : () -> ()
      %mul3A_18 = arith.constant 640 : i32
      %mul3A_19 = arith.muli %arg1, %mul3A_18 : i32
      %multiple_of3A_20 = tpu.assume_multiple %mul3A_19, 128 : i32
      "tpu.region"() ({
        %run_scoped3A = tpu.sem_alloc : memref<!tpu.dma_semaphore, #tpu.memory_space<semaphore_mem>>
        %dma_start3A = tpu.memref_slice %arg7[%multiple_of3A_20] : memref<10240xf32, #tpu.memory_space<hbm>> -> memref<640xf32, #tpu.memory_space<hbm>>
        %dma_start3A_21 = tpu.memref_slice %arg7[%multiple_of3A_20] : memref<10240xf32, #tpu.memory_space<hbm>> -> memref<640xf32, #tpu.memory_space<hbm>>
        tpu.enqueue_dma source(%arg9 : memref<640xf32, #tpu.memory_space<vmem>>) target(%dma_start3A_21 : memref<640xf32, #tpu.memory_space<hbm>>) target_semaphore(%run_scoped3A : memref<!tpu.dma_semaphore, #tpu.memory_space<semaphore_mem>>)
        %dma_wait3A = tpu.memref_slice %arg7[%multiple_of3A_20] : memref<10240xf32, #tpu.memory_space<hbm>> -> memref<640xf32, #tpu.memory_space<hbm>>
        %dma_wait3A_22 = tpu.memref_slice %arg7[%multiple_of3A_20] : memref<10240xf32, #tpu.memory_space<hbm>> -> memref<640xf32, #tpu.memory_space<hbm>>
        tpu.wait_dma2 semaphore(%run_scoped3A : memref<!tpu.dma_semaphore, #tpu.memory_space<semaphore_mem>>) src(%arg9 : memref<640xf32, #tpu.memory_space<vmem>>) dst(%dma_wait3A_22 : memref<640xf32, #tpu.memory_space<hbm>>)
        tpu.yield
      }) : () -> ()
    } else {
    }
    return
  }
}

#map = affine_map<(d0, d1) -> (0, 0, 0)>
#map1 = affine_map<(d0, d1) -> (0)>
module attributes {stable_mosaic.version = 14 : i64} {
  func.func @k(%arg0: i32, %arg1: i32, %arg2: memref<32x40x128xi32, #tpu.memory_space<hbm>>, %arg3: memref<640xf32, #tpu.memory_space<hbm>>, %arg4: memref<128xf32, #tpu.memory_space<hbm>>, %arg5: memref<10240xf32, #tpu.memory_space<hbm>>, %arg6: memref<10240xf32, #tpu.memory_space<hbm>>, %arg7: memref<10240xf32, #tpu.memory_space<vmem_shared>>, %arg8: memref<640xf32, #tpu.memory_space<vmem>>, %arg9: memref<40x128xi32, #tpu.memory_space<vmem>>, %arg10: memref<128xf32, #tpu.memory_space<vmem>>) attributes {dimension_semantics = [#tpu.dimension_semantics<core_parallel>, #tpu.dimension_semantics<subcore_parallel>], iteration_bounds = array<i64: 2, 16>, scalar_prefetch = 0 : i64, scratch_operands = 4 : i64, tpu.core_type = #tpu.core_type<sc_vector_subcore>, window_params = [{transform_indices = #map}, {transform_indices = #map1}, {transform_indices = #map1}, {transform_indices = #map1}, {transform_indices = #map1}]} {
    %mul3A = arith.constant 16 : i32
    %mul3A_0 = arith.muli %arg0, %mul3A : i32
    %add3A = arith.addi %mul3A_0, %arg1 : i32
    "tpu.region"() ({
      %run_scoped3A = tpu.sem_alloc : memref<!tpu.dma_semaphore, #tpu.memory_space<semaphore_mem>>
      tpu.enqueue_dma source(%arg3 : memref<640xf32, #tpu.memory_space<hbm>>) target(%arg8 : memref<640xf32, #tpu.memory_space<vmem>>) target_semaphore(%run_scoped3A : memref<!tpu.dma_semaphore, #tpu.memory_space<semaphore_mem>>)
      tpu.wait_dma2 semaphore(%run_scoped3A : memref<!tpu.dma_semaphore, #tpu.memory_space<semaphore_mem>>) src(%arg3 : memref<640xf32, #tpu.memory_space<hbm>>) dst(%arg8 : memref<640xf32, #tpu.memory_space<vmem>>)
      tpu.yield
    }) : () -> ()
    %mul3A_1 = arith.constant 640 : i32
    %mul3A_2 = arith.muli %arg1, %mul3A_1 : i32
    %multiple_of3A = tpu.assume_multiple %mul3A_2, 128 : i32
    "tpu.region"() ({
      %run_scoped3A = tpu.sem_alloc : memref<!tpu.dma_semaphore, #tpu.memory_space<semaphore_mem>>
      %dma_start3A = tpu.memref_slice %arg7[%multiple_of3A] : memref<10240xf32, #tpu.memory_space<vmem_shared>> -> memref<640xf32, #tpu.memory_space<vmem_shared>>
      %dma_start3A_15 = tpu.memref_slice %arg7[%multiple_of3A] : memref<10240xf32, #tpu.memory_space<vmem_shared>> -> memref<640xf32, #tpu.memory_space<vmem_shared>>
      tpu.enqueue_dma source(%arg8 : memref<640xf32, #tpu.memory_space<vmem>>) target(%dma_start3A_15 : memref<640xf32, #tpu.memory_space<vmem_shared>>) target_semaphore(%run_scoped3A : memref<!tpu.dma_semaphore, #tpu.memory_space<semaphore_mem>>)
      %dma_wait3A = tpu.memref_slice %arg7[%multiple_of3A] : memref<10240xf32, #tpu.memory_space<vmem_shared>> -> memref<640xf32, #tpu.memory_space<vmem_shared>>
      %dma_wait3A_16 = tpu.memref_slice %arg7[%multiple_of3A] : memref<10240xf32, #tpu.memory_space<vmem_shared>> -> memref<640xf32, #tpu.memory_space<vmem_shared>>
      tpu.wait_dma2 semaphore(%run_scoped3A : memref<!tpu.dma_semaphore, #tpu.memory_space<semaphore_mem>>) src(%arg8 : memref<640xf32, #tpu.memory_space<vmem>>) dst(%dma_wait3A_16 : memref<640xf32, #tpu.memory_space<vmem_shared>>)
      tpu.yield
    }) : () -> ()
    "tpu.region"() ({
      %run_scoped3A = tpu.sem_alloc : memref<!tpu.dma_semaphore, #tpu.memory_space<semaphore_mem>>
      tpu.enqueue_dma source(%arg4 : memref<128xf32, #tpu.memory_space<hbm>>) target(%arg10 : memref<128xf32, #tpu.memory_space<vmem>>) target_semaphore(%run_scoped3A : memref<!tpu.dma_semaphore, #tpu.memory_space<semaphore_mem>>)
      tpu.wait_dma2 semaphore(%run_scoped3A : memref<!tpu.dma_semaphore, #tpu.memory_space<semaphore_mem>>) src(%arg4 : memref<128xf32, #tpu.memory_space<hbm>>) dst(%arg10 : memref<128xf32, #tpu.memory_space<vmem>>)
      tpu.yield
    }) : () -> ()
    "tpu.region"() ({
      %run_scoped3A = tpu.sem_alloc : memref<!tpu.dma_semaphore, #tpu.memory_space<semaphore_mem>>
      %dma_start3A = arith.constant 0 : i32
      %dma_start3A_15 = arith.constant 0 : i32
      %dma_start3A_16 = tpu.memref_slice %arg2[%add3A, %dma_start3A, %dma_start3A_15] : memref<32x40x128xi32, #tpu.memory_space<hbm>> -> memref<1x40x128xi32, #tpu.memory_space<hbm>>
      %dma_start3A_17 = tpu.memref_squeeze %dma_start3A_16 : memref<1x40x128xi32, #tpu.memory_space<hbm>> -> memref<40x128xi32, #tpu.memory_space<hbm>>
      %dma_start3A_18 = arith.constant 0 : i32
      %dma_start3A_19 = arith.constant 0 : i32
      %dma_start3A_20 = tpu.memref_slice %arg2[%add3A, %dma_start3A_18, %dma_start3A_19] : memref<32x40x128xi32, #tpu.memory_space<hbm>> -> memref<1x40x128xi32, #tpu.memory_space<hbm>>
      %dma_start3A_21 = tpu.memref_squeeze %dma_start3A_20 : memref<1x40x128xi32, #tpu.memory_space<hbm>> -> memref<40x128xi32, #tpu.memory_space<hbm>>
      tpu.enqueue_dma source(%dma_start3A_21 : memref<40x128xi32, #tpu.memory_space<hbm>>) target(%arg9 : memref<40x128xi32, #tpu.memory_space<vmem>>) target_semaphore(%run_scoped3A : memref<!tpu.dma_semaphore, #tpu.memory_space<semaphore_mem>>)
      %dma_wait3A = arith.constant 0 : i32
      %dma_wait3A_22 = arith.constant 0 : i32
      %dma_wait3A_23 = tpu.memref_slice %arg2[%add3A, %dma_wait3A, %dma_wait3A_22] : memref<32x40x128xi32, #tpu.memory_space<hbm>> -> memref<1x40x128xi32, #tpu.memory_space<hbm>>
      %dma_wait3A_24 = tpu.memref_squeeze %dma_wait3A_23 : memref<1x40x128xi32, #tpu.memory_space<hbm>> -> memref<40x128xi32, #tpu.memory_space<hbm>>
      %dma_wait3A_25 = arith.constant 0 : i32
      %dma_wait3A_26 = arith.constant 0 : i32
      %dma_wait3A_27 = tpu.memref_slice %arg2[%add3A, %dma_wait3A_25, %dma_wait3A_26] : memref<32x40x128xi32, #tpu.memory_space<hbm>> -> memref<1x40x128xi32, #tpu.memory_space<hbm>>
      %dma_wait3A_28 = tpu.memref_squeeze %dma_wait3A_27 : memref<1x40x128xi32, #tpu.memory_space<hbm>> -> memref<40x128xi32, #tpu.memory_space<hbm>>
      tpu.wait_dma2 semaphore(%run_scoped3A : memref<!tpu.dma_semaphore, #tpu.memory_space<semaphore_mem>>) src(%dma_wait3A_28 : memref<40x128xi32, #tpu.memory_space<hbm>>) dst(%arg9 : memref<40x128xi32, #tpu.memory_space<vmem>>)
      tpu.yield
    }) : () -> ()
    %barrier3A = arith.constant 0 : index
    tpu.barrier barrier_id(%barrier3A)
    %scan3A = arith.constant 0 : i32
    %scan3A_3 = arith.constant 40 : i32
    %scan3A_4 = arith.addi %scan3A, %scan3A_3 : i32
    %scan3A_5 = arith.constant 1 : i32
    scf.for %scan3A_15 = %scan3A to %scan3A_4 step %scan3A_5  : i32 {
      %mul3A_16 = arith.constant 1 : i32
      %mul3A_17 = arith.muli %scan3A_15, %mul3A_16 : i32
      %add3A_18 = arith.constant 0 : i32
      %add3A_19 = arith.addi %add3A_18, %mul3A_17 : i32
      "tpu.region"() ({
        %run_scoped3A = tpu.sem_alloc : memref<!tpu.dma_semaphore, #tpu.memory_space<semaphore_mem>>
        %dma_start3A = arith.constant 0 : i32
        %dma_start3A_20 = tpu.memref_slice %arg9[%add3A_19, %dma_start3A] : memref<40x128xi32, #tpu.memory_space<vmem>> -> memref<1x128xi32, #tpu.memory_space<vmem>>
        %dma_start3A_21 = tpu.memref_squeeze %dma_start3A_20 : memref<1x128xi32, #tpu.memory_space<vmem>> -> memref<128xi32, #tpu.memory_space<vmem>>
        %dma_start3A_22 = arith.constant 0 : i32
        %dma_start3A_23 = tpu.memref_slice %arg7[%dma_start3A_22] : memref<10240xf32, #tpu.memory_space<vmem_shared>> -> memref<10240xf32, #tpu.memory_space<vmem_shared>>
        tpu.enqueue_indirect_dma source(%arg10 : memref<128xf32, #tpu.memory_space<vmem>>) target(%dma_start3A_23 : memref<10240xf32, #tpu.memory_space<vmem_shared>>) offsets(%dma_start3A_21 : memref<128xi32, #tpu.memory_space<vmem>>) semaphore(%run_scoped3A : memref<!tpu.dma_semaphore, #tpu.memory_space<semaphore_mem>>) {add = true}
        %dma_wait3A = arith.constant 0 : i32
        %dma_wait3A_24 = tpu.memref_slice %arg9[%add3A_19, %dma_wait3A] : memref<40x128xi32, #tpu.memory_space<vmem>> -> memref<1x128xi32, #tpu.memory_space<vmem>>
        %dma_wait3A_25 = tpu.memref_squeeze %dma_wait3A_24 : memref<1x128xi32, #tpu.memory_space<vmem>> -> memref<128xi32, #tpu.memory_space<vmem>>
        %dma_wait3A_26 = arith.constant 0 : i32
        %dma_wait3A_27 = tpu.memref_slice %arg7[%dma_wait3A_26] : memref<10240xf32, #tpu.memory_space<vmem_shared>> -> memref<10240xf32, #tpu.memory_space<vmem_shared>>
        tpu.wait_indirect_dma semaphore(%run_scoped3A : memref<!tpu.dma_semaphore, #tpu.memory_space<semaphore_mem>>) src(%arg10 : memref<128xf32, #tpu.memory_space<vmem>>) dst(%dma_wait3A_27 : memref<10240xf32, #tpu.memory_space<vmem_shared>>)
        tpu.yield
      }) : () -> ()
    }
    %scan3A_6 = arith.constant 40 : i32
    %barrier3A_7 = arith.constant 0 : index
    tpu.barrier barrier_id(%barrier3A_7)
    %eq3A = arith.constant 0 : i32
    %eq3A_8 = arith.cmpi eq, %arg0, %eq3A : i32
    %convert_element_type3A = arith.extui %eq3A_8 : i1 to i32
    %cond3A = arith.constant 0 : i32
    %cond3A_9 = arith.cmpi ne, %convert_element_type3A, %cond3A : i32
    scf.if %cond3A_9 {
      %mul3A_15 = arith.constant 640 : i32
      %mul3A_16 = arith.muli %arg1, %mul3A_15 : i32
      %multiple_of3A_17 = tpu.assume_multiple %mul3A_16, 128 : i32
      "tpu.region"() ({
        %run_scoped3A = tpu.sem_alloc : memref<!tpu.dma_semaphore, #tpu.memory_space<semaphore_mem>>
        %dma_start3A = tpu.memref_slice %arg7[%multiple_of3A_17] : memref<10240xf32, #tpu.memory_space<vmem_shared>> -> memref<640xf32, #tpu.memory_space<vmem_shared>>
        %dma_start3A_21 = tpu.memref_slice %arg7[%multiple_of3A_17] : memref<10240xf32, #tpu.memory_space<vmem_shared>> -> memref<640xf32, #tpu.memory_space<vmem_shared>>
        tpu.enqueue_dma source(%dma_start3A_21 : memref<640xf32, #tpu.memory_space<vmem_shared>>) target(%arg8 : memref<640xf32, #tpu.memory_space<vmem>>) target_semaphore(%run_scoped3A : memref<!tpu.dma_semaphore, #tpu.memory_space<semaphore_mem>>)
        %dma_wait3A = tpu.memref_slice %arg7[%multiple_of3A_17] : memref<10240xf32, #tpu.memory_space<vmem_shared>> -> memref<640xf32, #tpu.memory_space<vmem_shared>>
        %dma_wait3A_22 = tpu.memref_slice %arg7[%multiple_of3A_17] : memref<10240xf32, #tpu.memory_space<vmem_shared>> -> memref<640xf32, #tpu.memory_space<vmem_shared>>
        tpu.wait_dma2 semaphore(%run_scoped3A : memref<!tpu.dma_semaphore, #tpu.memory_space<semaphore_mem>>) src(%dma_wait3A_22 : memref<640xf32, #tpu.memory_space<vmem_shared>>) dst(%arg8 : memref<640xf32, #tpu.memory_space<vmem>>)
        tpu.yield
      }) : () -> ()
      %mul3A_18 = arith.constant 640 : i32
      %mul3A_19 = arith.muli %arg1, %mul3A_18 : i32
      %multiple_of3A_20 = tpu.assume_multiple %mul3A_19, 128 : i32
      "tpu.region"() ({
        %run_scoped3A = tpu.sem_alloc : memref<!tpu.dma_semaphore, #tpu.memory_space<semaphore_mem>>
        %dma_start3A = tpu.memref_slice %arg5[%multiple_of3A_20] : memref<10240xf32, #tpu.memory_space<hbm>> -> memref<640xf32, #tpu.memory_space<hbm>>
        %dma_start3A_21 = tpu.memref_slice %arg5[%multiple_of3A_20] : memref<10240xf32, #tpu.memory_space<hbm>> -> memref<640xf32, #tpu.memory_space<hbm>>
        tpu.enqueue_dma source(%arg8 : memref<640xf32, #tpu.memory_space<vmem>>) target(%dma_start3A_21 : memref<640xf32, #tpu.memory_space<hbm>>) target_semaphore(%run_scoped3A : memref<!tpu.dma_semaphore, #tpu.memory_space<semaphore_mem>>)
        %dma_wait3A = tpu.memref_slice %arg5[%multiple_of3A_20] : memref<10240xf32, #tpu.memory_space<hbm>> -> memref<640xf32, #tpu.memory_space<hbm>>
        %dma_wait3A_22 = tpu.memref_slice %arg5[%multiple_of3A_20] : memref<10240xf32, #tpu.memory_space<hbm>> -> memref<640xf32, #tpu.memory_space<hbm>>
        tpu.wait_dma2 semaphore(%run_scoped3A : memref<!tpu.dma_semaphore, #tpu.memory_space<semaphore_mem>>) src(%arg8 : memref<640xf32, #tpu.memory_space<vmem>>) dst(%dma_wait3A_22 : memref<640xf32, #tpu.memory_space<hbm>>)
        tpu.yield
      }) : () -> ()
    } else {
    }
    %eq3A_10 = arith.constant 1 : i32
    %eq3A_11 = arith.cmpi eq, %arg0, %eq3A_10 : i32
    %convert_element_type3A_12 = arith.extui %eq3A_11 : i1 to i32
    %cond3A_13 = arith.constant 0 : i32
    %cond3A_14 = arith.cmpi ne, %convert_element_type3A_12, %cond3A_13 : i32
    scf.if %cond3A_14 {
      %mul3A_15 = arith.constant 640 : i32
      %mul3A_16 = arith.muli %arg1, %mul3A_15 : i32
      %multiple_of3A_17 = tpu.assume_multiple %mul3A_16, 128 : i32
      "tpu.region"() ({
        %run_scoped3A = tpu.sem_alloc : memref<!tpu.dma_semaphore, #tpu.memory_space<semaphore_mem>>
        %dma_start3A = tpu.memref_slice %arg7[%multiple_of3A_17] : memref<10240xf32, #tpu.memory_space<vmem_shared>> -> memref<640xf32, #tpu.memory_space<vmem_shared>>
        %dma_start3A_21 = tpu.memref_slice %arg7[%multiple_of3A_17] : memref<10240xf32, #tpu.memory_space<vmem_shared>> -> memref<640xf32, #tpu.memory_space<vmem_shared>>
        tpu.enqueue_dma source(%dma_start3A_21 : memref<640xf32, #tpu.memory_space<vmem_shared>>) target(%arg8 : memref<640xf32, #tpu.memory_space<vmem>>) target_semaphore(%run_scoped3A : memref<!tpu.dma_semaphore, #tpu.memory_space<semaphore_mem>>)
        %dma_wait3A = tpu.memref_slice %arg7[%multiple_of3A_17] : memref<10240xf32, #tpu.memory_space<vmem_shared>> -> memref<640xf32, #tpu.memory_space<vmem_shared>>
        %dma_wait3A_22 = tpu.memref_slice %arg7[%multiple_of3A_17] : memref<10240xf32, #tpu.memory_space<vmem_shared>> -> memref<640xf32, #tpu.memory_space<vmem_shared>>
        tpu.wait_dma2 semaphore(%run_scoped3A : memref<!tpu.dma_semaphore, #tpu.memory_space<semaphore_mem>>) src(%dma_wait3A_22 : memref<640xf32, #tpu.memory_space<vmem_shared>>) dst(%arg8 : memref<640xf32, #tpu.memory_space<vmem>>)
        tpu.yield
      }) : () -> ()
      %mul3A_18 = arith.constant 640 : i32
      %mul3A_19 = arith.muli %arg1, %mul3A_18 : i32
      %multiple_of3A_20 = tpu.assume_multiple %mul3A_19, 128 : i32
      "tpu.region"() ({
        %run_scoped3A = tpu.sem_alloc : memref<!tpu.dma_semaphore, #tpu.memory_space<semaphore_mem>>
        %dma_start3A = tpu.memref_slice %arg6[%multiple_of3A_20] : memref<10240xf32, #tpu.memory_space<hbm>> -> memref<640xf32, #tpu.memory_space<hbm>>
        %dma_start3A_21 = tpu.memref_slice %arg6[%multiple_of3A_20] : memref<10240xf32, #tpu.memory_space<hbm>> -> memref<640xf32, #tpu.memory_space<hbm>>
        tpu.enqueue_dma source(%arg8 : memref<640xf32, #tpu.memory_space<vmem>>) target(%dma_start3A_21 : memref<640xf32, #tpu.memory_space<hbm>>) target_semaphore(%run_scoped3A : memref<!tpu.dma_semaphore, #tpu.memory_space<semaphore_mem>>)
        %dma_wait3A = tpu.memref_slice %arg6[%multiple_of3A_20] : memref<10240xf32, #tpu.memory_space<hbm>> -> memref<640xf32, #tpu.memory_space<hbm>>
        %dma_wait3A_22 = tpu.memref_slice %arg6[%multiple_of3A_20] : memref<10240xf32, #tpu.memory_space<hbm>> -> memref<640xf32, #tpu.memory_space<hbm>>
        tpu.wait_dma2 semaphore(%run_scoped3A : memref<!tpu.dma_semaphore, #tpu.memory_space<semaphore_mem>>) src(%arg8 : memref<640xf32, #tpu.memory_space<vmem>>) dst(%dma_wait3A_22 : memref<640xf32, #tpu.memory_space<hbm>>)
        tpu.yield
      }) : () -> ()
    } else {
    }
    return
  }
}

#map = affine_map<(d0, d1) -> (0, 0)>
#map1 = affine_map<(d0, d1) -> (0)>
module attributes {stable_mosaic.version = 14 : i64} {
  func.func @k(%arg0: i32, %arg1: i32, %arg2: memref<10000x128xf32, #tpu.memory_space<hbm>>, %arg3: memref<10000x128xf32, #tpu.memory_space<hbm>>, %arg4: memref<163840xi32, #tpu.memory_space<hbm>>, %arg5: memref<163840xi32, #tpu.memory_space<hbm>>, %arg6: memref<10000x128xf32, #tpu.memory_space<hbm>>, %arg7: memref<10000x128xf32, #tpu.memory_space<hbm>>, %arg8: memref<10016x128xf32, #tpu.memory_space<vmem_shared>>, %arg9: memref<128xi32, #tpu.memory_space<vmem>>, %arg10: memref<128xi32, #tpu.memory_space<vmem>>, %arg11: memref<128x128xf32, #tpu.memory_space<vmem>>) attributes {dimension_semantics = [#tpu.dimension_semantics<core_parallel>, #tpu.dimension_semantics<subcore_parallel>], iteration_bounds = array<i64: 2, 16>, scalar_prefetch = 0 : i64, scratch_operands = 4 : i64, tpu.core_type = #tpu.core_type<sc_vector_subcore>, window_params = [{transform_indices = #map}, {transform_indices = #map}, {transform_indices = #map1}, {transform_indices = #map1}, {transform_indices = #map}, {transform_indices = #map}]} {
    %eq3A = arith.constant 0 : i32
    %eq3A_0 = arith.cmpi eq, %arg0, %eq3A : i32
    %convert_element_type3A = arith.extui %eq3A_0 : i1 to i32
    %cond3A = arith.constant 0 : i32
    %cond3A_1 = arith.cmpi ne, %convert_element_type3A, %cond3A : i32
    scf.if %cond3A_1 {
      %scan3A = arith.constant 0 : i32
      %scan3A_7 = arith.constant 5 : i32
      %scan3A_8 = arith.addi %scan3A, %scan3A_7 : i32
      %scan3A_9 = arith.constant 1 : i32
      scf.for %scan3A_33 = %scan3A to %scan3A_8 step %scan3A_9  : i32 {
        %mul3A_34 = arith.constant 1 : i32
        %mul3A_35 = arith.muli %scan3A_33, %mul3A_34 : i32
        %add3A = arith.constant 0 : i32
        %add3A_36 = arith.addi %add3A, %mul3A_35 : i32
        %mul3A_37 = arith.constant 5 : i32
        %mul3A_38 = arith.muli %arg1, %mul3A_37 : i32
        %add3A_39 = arith.addi %mul3A_38, %add3A_36 : i32
        %lt3A = arith.constant 78 : i32
        %lt3A_40 = arith.cmpi slt, %add3A_39, %lt3A : i32
        %convert_element_type3A_41 = arith.extui %lt3A_40 : i1 to i32
        %cond3A_42 = arith.constant 0 : i32
        %cond3A_43 = arith.cmpi ne, %convert_element_type3A_41, %cond3A_42 : i32
        scf.if %cond3A_43 {
          %mul3A_44 = arith.constant 128 : i32
          %mul3A_45 = arith.muli %add3A_39, %mul3A_44 : i32
          %multiple_of3A = tpu.assume_multiple %mul3A_45, 8 : i32
          "tpu.region"() ({
            %run_scoped3A = tpu.sem_alloc : memref<!tpu.dma_semaphore, #tpu.memory_space<semaphore_mem>>
            %dma_start3A = arith.constant 0 : i32
            %dma_start3A_46 = tpu.memref_slice %arg2[%multiple_of3A, %dma_start3A] : memref<10000x128xf32, #tpu.memory_space<hbm>> -> memref<128x128xf32, #tpu.memory_space<hbm>>
            %dma_start3A_47 = arith.constant 0 : i32
            %dma_start3A_48 = tpu.memref_slice %arg2[%multiple_of3A, %dma_start3A_47] : memref<10000x128xf32, #tpu.memory_space<hbm>> -> memref<128x128xf32, #tpu.memory_space<hbm>>
            tpu.enqueue_dma source(%dma_start3A_48 : memref<128x128xf32, #tpu.memory_space<hbm>>) target(%arg11 : memref<128x128xf32, #tpu.memory_space<vmem>>) target_semaphore(%run_scoped3A : memref<!tpu.dma_semaphore, #tpu.memory_space<semaphore_mem>>)
            %dma_wait3A = arith.constant 0 : i32
            %dma_wait3A_49 = tpu.memref_slice %arg2[%multiple_of3A, %dma_wait3A] : memref<10000x128xf32, #tpu.memory_space<hbm>> -> memref<128x128xf32, #tpu.memory_space<hbm>>
            %dma_wait3A_50 = arith.constant 0 : i32
            %dma_wait3A_51 = tpu.memref_slice %arg2[%multiple_of3A, %dma_wait3A_50] : memref<10000x128xf32, #tpu.memory_space<hbm>> -> memref<128x128xf32, #tpu.memory_space<hbm>>
            tpu.wait_dma2 semaphore(%run_scoped3A : memref<!tpu.dma_semaphore, #tpu.memory_space<semaphore_mem>>) src(%dma_wait3A_51 : memref<128x128xf32, #tpu.memory_space<hbm>>) dst(%arg11 : memref<128x128xf32, #tpu.memory_space<vmem>>)
            tpu.yield
          }) : () -> ()
          "tpu.region"() ({
            %run_scoped3A = tpu.sem_alloc : memref<!tpu.dma_semaphore, #tpu.memory_space<semaphore_mem>>
            %dma_start3A = arith.constant 0 : i32
            %dma_start3A_46 = tpu.memref_slice %arg8[%multiple_of3A, %dma_start3A] : memref<10016x128xf32, #tpu.memory_space<vmem_shared>> -> memref<128x128xf32, #tpu.memory_space<vmem_shared>>
            %dma_start3A_47 = arith.constant 0 : i32
            %dma_start3A_48 = tpu.memref_slice %arg8[%multiple_of3A, %dma_start3A_47] : memref<10016x128xf32, #tpu.memory_space<vmem_shared>> -> memref<128x128xf32, #tpu.memory_space<vmem_shared>>
            tpu.enqueue_dma source(%arg11 : memref<128x128xf32, #tpu.memory_space<vmem>>) target(%dma_start3A_48 : memref<128x128xf32, #tpu.memory_space<vmem_shared>>) target_semaphore(%run_scoped3A : memref<!tpu.dma_semaphore, #tpu.memory_space<semaphore_mem>>)
            %dma_wait3A = arith.constant 0 : i32
            %dma_wait3A_49 = tpu.memref_slice %arg8[%multiple_of3A, %dma_wait3A] : memref<10016x128xf32, #tpu.memory_space<vmem_shared>> -> memref<128x128xf32, #tpu.memory_space<vmem_shared>>
            %dma_wait3A_50 = arith.constant 0 : i32
            %dma_wait3A_51 = tpu.memref_slice %arg8[%multiple_of3A, %dma_wait3A_50] : memref<10016x128xf32, #tpu.memory_space<vmem_shared>> -> memref<128x128xf32, #tpu.memory_space<vmem_shared>>
            tpu.wait_dma2 semaphore(%run_scoped3A : memref<!tpu.dma_semaphore, #tpu.memory_space<semaphore_mem>>) src(%arg11 : memref<128x128xf32, #tpu.memory_space<vmem>>) dst(%dma_wait3A_51 : memref<128x128xf32, #tpu.memory_space<vmem_shared>>)
            tpu.yield
          }) : () -> ()
        } else {
        }
      }
      %scan3A_10 = arith.constant 5 : i32
      %eq3A_11 = arith.constant 15 : i32
      %eq3A_12 = arith.cmpi eq, %arg1, %eq3A_11 : i32
      %convert_element_type3A_13 = arith.extui %eq3A_12 : i1 to i32
      %cond3A_14 = arith.constant 0 : i32
      %cond3A_15 = arith.cmpi ne, %convert_element_type3A_13, %cond3A_14 : i32
      scf.if %cond3A_15 {
        "tpu.region"() ({
          %run_scoped3A = tpu.sem_alloc : memref<!tpu.dma_semaphore, #tpu.memory_space<semaphore_mem>>
          %dma_start3A = arith.constant 0 : i32
          %dma_start3A_33 = arith.constant 0 : i32
          %dma_start3A_34 = tpu.memref_slice %arg11[%dma_start3A, %dma_start3A_33] : memref<128x128xf32, #tpu.memory_space<vmem>> -> memref<16x128xf32, #tpu.memory_space<vmem>>
          %dma_start3A_35 = arith.constant 9984 : i32
          %dma_start3A_36 = arith.constant 0 : i32
          %dma_start3A_37 = tpu.memref_slice %arg2[%dma_start3A_35, %dma_start3A_36] : memref<10000x128xf32, #tpu.memory_space<hbm>> -> memref<16x128xf32, #tpu.memory_space<hbm>>
          %dma_start3A_38 = arith.constant 0 : i32
          %dma_start3A_39 = arith.constant 0 : i32
          %dma_start3A_40 = tpu.memref_slice %arg11[%dma_start3A_38, %dma_start3A_39] : memref<128x128xf32, #tpu.memory_space<vmem>> -> memref<16x128xf32, #tpu.memory_space<vmem>>
          %dma_start3A_41 = arith.constant 9984 : i32
          %dma_start3A_42 = arith.constant 0 : i32
          %dma_start3A_43 = tpu.memref_slice %arg2[%dma_start3A_41, %dma_start3A_42] : memref<10000x128xf32, #tpu.memory_space<hbm>> -> memref<16x128xf32, #tpu.memory_space<hbm>>
          tpu.enqueue_dma source(%dma_start3A_43 : memref<16x128xf32, #tpu.memory_space<hbm>>) target(%dma_start3A_40 : memref<16x128xf32, #tpu.memory_space<vmem>>) target_semaphore(%run_scoped3A : memref<!tpu.dma_semaphore, #tpu.memory_space<semaphore_mem>>)
          %dma_wait3A = arith.constant 0 : i32
          %dma_wait3A_44 = arith.constant 0 : i32
          %dma_wait3A_45 = tpu.memref_slice %arg11[%dma_wait3A, %dma_wait3A_44] : memref<128x128xf32, #tpu.memory_space<vmem>> -> memref<16x128xf32, #tpu.memory_space<vmem>>
          %dma_wait3A_46 = arith.constant 9984 : i32
          %dma_wait3A_47 = arith.constant 0 : i32
          %dma_wait3A_48 = tpu.memref_slice %arg2[%dma_wait3A_46, %dma_wait3A_47] : memref<10000x128xf32, #tpu.memory_space<hbm>> -> memref<16x128xf32, #tpu.memory_space<hbm>>
          %dma_wait3A_49 = arith.constant 0 : i32
          %dma_wait3A_50 = arith.constant 0 : i32
          %dma_wait3A_51 = tpu.memref_slice %arg11[%dma_wait3A_49, %dma_wait3A_50] : memref<128x128xf32, #tpu.memory_space<vmem>> -> memref<16x128xf32, #tpu.memory_space<vmem>>
          %dma_wait3A_52 = arith.constant 9984 : i32
          %dma_wait3A_53 = arith.constant 0 : i32
          %dma_wait3A_54 = tpu.memref_slice %arg2[%dma_wait3A_52, %dma_wait3A_53] : memref<10000x128xf32, #tpu.memory_space<hbm>> -> memref<16x128xf32, #tpu.memory_space<hbm>>
          tpu.wait_dma2 semaphore(%run_scoped3A : memref<!tpu.dma_semaphore, #tpu.memory_space<semaphore_mem>>) src(%dma_wait3A_54 : memref<16x128xf32, #tpu.memory_space<hbm>>) dst(%dma_wait3A_51 : memref<16x128xf32, #tpu.memory_space<vmem>>)
          tpu.yield
        }) : () -> ()
        "tpu.region"() ({
          %run_scoped3A = tpu.sem_alloc : memref<!tpu.dma_semaphore, #tpu.memory_space<semaphore_mem>>
          %dma_start3A = arith.constant 0 : i32
          %dma_start3A_33 = arith.constant 0 : i32
          %dma_start3A_34 = tpu.memref_slice %arg11[%dma_start3A, %dma_start3A_33] : memref<128x128xf32, #tpu.memory_space<vmem>> -> memref<16x128xf32, #tpu.memory_space<vmem>>
          %dma_start3A_35 = arith.constant 9984 : i32
          %dma_start3A_36 = arith.constant 0 : i32
          %dma_start3A_37 = tpu.memref_slice %arg8[%dma_start3A_35, %dma_start3A_36] : memref<10016x128xf32, #tpu.memory_space<vmem_shared>> -> memref<16x128xf32, #tpu.memory_space<vmem_shared>>
          %dma_start3A_38 = arith.constant 9984 : i32
          %dma_start3A_39 = arith.constant 0 : i32
          %dma_start3A_40 = tpu.memref_slice %arg8[%dma_start3A_38, %dma_start3A_39] : memref<10016x128xf32, #tpu.memory_space<vmem_shared>> -> memref<16x128xf32, #tpu.memory_space<vmem_shared>>
          %dma_start3A_41 = arith.constant 0 : i32
          %dma_start3A_42 = arith.constant 0 : i32
          %dma_start3A_43 = tpu.memref_slice %arg11[%dma_start3A_41, %dma_start3A_42] : memref<128x128xf32, #tpu.memory_space<vmem>> -> memref<16x128xf32, #tpu.memory_space<vmem>>
          tpu.enqueue_dma source(%dma_start3A_43 : memref<16x128xf32, #tpu.memory_space<vmem>>) target(%dma_start3A_40 : memref<16x128xf32, #tpu.memory_space<vmem_shared>>) target_semaphore(%run_scoped3A : memref<!tpu.dma_semaphore, #tpu.memory_space<semaphore_mem>>)
          %dma_wait3A = arith.constant 0 : i32
          %dma_wait3A_44 = arith.constant 0 : i32
          %dma_wait3A_45 = tpu.memref_slice %arg11[%dma_wait3A, %dma_wait3A_44] : memref<128x128xf32, #tpu.memory_space<vmem>> -> memref<16x128xf32, #tpu.memory_space<vmem>>
          %dma_wait3A_46 = arith.constant 9984 : i32
          %dma_wait3A_47 = arith.constant 0 : i32
          %dma_wait3A_48 = tpu.memref_slice %arg8[%dma_wait3A_46, %dma_wait3A_47] : memref<10016x128xf32, #tpu.memory_space<vmem_shared>> -> memref<16x128xf32, #tpu.memory_space<vmem_shared>>
          %dma_wait3A_49 = arith.constant 9984 : i32
          %dma_wait3A_50 = arith.constant 0 : i32
          %dma_wait3A_51 = tpu.memref_slice %arg8[%dma_wait3A_49, %dma_wait3A_50] : memref<10016x128xf32, #tpu.memory_space<vmem_shared>> -> memref<16x128xf32, #tpu.memory_space<vmem_shared>>
          %dma_wait3A_52 = arith.constant 0 : i32
          %dma_wait3A_53 = arith.constant 0 : i32
          %dma_wait3A_54 = tpu.memref_slice %arg11[%dma_wait3A_52, %dma_wait3A_53] : memref<128x128xf32, #tpu.memory_space<vmem>> -> memref<16x128xf32, #tpu.memory_space<vmem>>
          tpu.wait_dma2 semaphore(%run_scoped3A : memref<!tpu.dma_semaphore, #tpu.memory_space<semaphore_mem>>) src(%dma_wait3A_54 : memref<16x128xf32, #tpu.memory_space<vmem>>) dst(%dma_wait3A_51 : memref<16x128xf32, #tpu.memory_space<vmem_shared>>)
          tpu.yield
        }) : () -> ()
      } else {
      }
      %barrier3A = arith.constant 0 : index
      tpu.barrier barrier_id(%barrier3A)
      %mul3A = arith.constant 10240 : i32
      %mul3A_16 = arith.muli %arg1, %mul3A : i32
      %scan3A_17 = arith.constant 0 : i32
      %scan3A_18 = arith.constant 80 : i32
      %scan3A_19 = arith.addi %scan3A_17, %scan3A_18 : i32
      %scan3A_20 = arith.constant 1 : i32
      scf.for %scan3A_33 = %scan3A_17 to %scan3A_19 step %scan3A_20  : i32 {
        %mul3A_34 = arith.constant 1 : i32
        %mul3A_35 = arith.muli %scan3A_33, %mul3A_34 : i32
        %add3A = arith.constant 0 : i32
        %add3A_36 = arith.addi %add3A, %mul3A_35 : i32
        %mul3A_37 = arith.constant 128 : i32
        %mul3A_38 = arith.muli %add3A_36, %mul3A_37 : i32
        %add3A_39 = arith.addi %mul3A_16, %mul3A_38 : i32
        %multiple_of3A = tpu.assume_multiple %add3A_39, 128 : i32
        "tpu.region"() ({
          %run_scoped3A = tpu.sem_alloc : memref<!tpu.dma_semaphore, #tpu.memory_space<semaphore_mem>>
          %dma_start3A = tpu.memref_slice %arg4[%multiple_of3A] : memref<163840xi32, #tpu.memory_space<hbm>> -> memref<128xi32, #tpu.memory_space<hbm>>
          %dma_start3A_40 = tpu.memref_slice %arg4[%multiple_of3A] : memref<163840xi32, #tpu.memory_space<hbm>> -> memref<128xi32, #tpu.memory_space<hbm>>
          tpu.enqueue_dma source(%dma_start3A_40 : memref<128xi32, #tpu.memory_space<hbm>>) target(%arg9 : memref<128xi32, #tpu.memory_space<vmem>>) target_semaphore(%run_scoped3A : memref<!tpu.dma_semaphore, #tpu.memory_space<semaphore_mem>>)
          %dma_wait3A = tpu.memref_slice %arg4[%multiple_of3A] : memref<163840xi32, #tpu.memory_space<hbm>> -> memref<128xi32, #tpu.memory_space<hbm>>
          %dma_wait3A_41 = tpu.memref_slice %arg4[%multiple_of3A] : memref<163840xi32, #tpu.memory_space<hbm>> -> memref<128xi32, #tpu.memory_space<hbm>>
          tpu.wait_dma2 semaphore(%run_scoped3A : memref<!tpu.dma_semaphore, #tpu.memory_space<semaphore_mem>>) src(%dma_wait3A_41 : memref<128xi32, #tpu.memory_space<hbm>>) dst(%arg9 : memref<128xi32, #tpu.memory_space<vmem>>)
          tpu.yield
        }) : () -> ()
        "tpu.region"() ({
          %run_scoped3A = tpu.sem_alloc : memref<!tpu.dma_semaphore, #tpu.memory_space<semaphore_mem>>
          %dma_start3A = tpu.memref_slice %arg5[%multiple_of3A] : memref<163840xi32, #tpu.memory_space<hbm>> -> memref<128xi32, #tpu.memory_space<hbm>>
          %dma_start3A_40 = tpu.memref_slice %arg5[%multiple_of3A] : memref<163840xi32, #tpu.memory_space<hbm>> -> memref<128xi32, #tpu.memory_space<hbm>>
          tpu.enqueue_dma source(%dma_start3A_40 : memref<128xi32, #tpu.memory_space<hbm>>) target(%arg10 : memref<128xi32, #tpu.memory_space<vmem>>) target_semaphore(%run_scoped3A : memref<!tpu.dma_semaphore, #tpu.memory_space<semaphore_mem>>)
          %dma_wait3A = tpu.memref_slice %arg5[%multiple_of3A] : memref<163840xi32, #tpu.memory_space<hbm>> -> memref<128xi32, #tpu.memory_space<hbm>>
          %dma_wait3A_41 = tpu.memref_slice %arg5[%multiple_of3A] : memref<163840xi32, #tpu.memory_space<hbm>> -> memref<128xi32, #tpu.memory_space<hbm>>
          tpu.wait_dma2 semaphore(%run_scoped3A : memref<!tpu.dma_semaphore, #tpu.memory_space<semaphore_mem>>) src(%dma_wait3A_41 : memref<128xi32, #tpu.memory_space<hbm>>) dst(%arg10 : memref<128xi32, #tpu.memory_space<vmem>>)
          tpu.yield
        }) : () -> ()
        "tpu.region"() ({
          %run_scoped3A = tpu.sem_alloc : memref<!tpu.dma_semaphore, #tpu.memory_space<semaphore_mem>>
          %dma_start3A = arith.constant 0 : i32
          %dma_start3A_40 = arith.constant 0 : i32
          %dma_start3A_41 = tpu.memref_slice %arg2[%dma_start3A, %dma_start3A_40] : memref<10000x128xf32, #tpu.memory_space<hbm>> -> memref<10000x128xf32, #tpu.memory_space<hbm>>
          tpu.enqueue_indirect_dma source(%dma_start3A_41 : memref<10000x128xf32, #tpu.memory_space<hbm>>) target(%arg11 : memref<128x128xf32, #tpu.memory_space<vmem>>) offsets(%arg9 : memref<128xi32, #tpu.memory_space<vmem>>) semaphore(%run_scoped3A : memref<!tpu.dma_semaphore, #tpu.memory_space<semaphore_mem>>)
          %dma_wait3A = arith.constant 0 : i32
          %dma_wait3A_42 = arith.constant 0 : i32
          %dma_wait3A_43 = tpu.memref_slice %arg2[%dma_wait3A, %dma_wait3A_42] : memref<10000x128xf32, #tpu.memory_space<hbm>> -> memref<10000x128xf32, #tpu.memory_space<hbm>>
          tpu.wait_indirect_dma semaphore(%run_scoped3A : memref<!tpu.dma_semaphore, #tpu.memory_space<semaphore_mem>>) src(%dma_wait3A_43 : memref<10000x128xf32, #tpu.memory_space<hbm>>) dst(%arg11 : memref<128x128xf32, #tpu.memory_space<vmem>>)
          tpu.yield
        }) : () -> ()
        "tpu.region"() ({
          %run_scoped3A = tpu.sem_alloc : memref<!tpu.dma_semaphore, #tpu.memory_space<semaphore_mem>>
          %dma_start3A = arith.constant 0 : i32
          %dma_start3A_40 = arith.constant 0 : i32
          %dma_start3A_41 = tpu.memref_slice %arg8[%dma_start3A, %dma_start3A_40] : memref<10016x128xf32, #tpu.memory_space<vmem_shared>> -> memref<10016x128xf32, #tpu.memory_space<vmem_shared>>
          tpu.enqueue_indirect_dma source(%arg11 : memref<128x128xf32, #tpu.memory_space<vmem>>) target(%dma_start3A_41 : memref<10016x128xf32, #tpu.memory_space<vmem_shared>>) offsets(%arg10 : memref<128xi32, #tpu.memory_space<vmem>>) semaphore(%run_scoped3A : memref<!tpu.dma_semaphore, #tpu.memory_space<semaphore_mem>>) {add = true}
          %dma_wait3A = arith.constant 0 : i32
          %dma_wait3A_42 = arith.constant 0 : i32
          %dma_wait3A_43 = tpu.memref_slice %arg8[%dma_wait3A, %dma_wait3A_42] : memref<10016x128xf32, #tpu.memory_space<vmem_shared>> -> memref<10016x128xf32, #tpu.memory_space<vmem_shared>>
          tpu.wait_indirect_dma semaphore(%run_scoped3A : memref<!tpu.dma_semaphore, #tpu.memory_space<semaphore_mem>>) src(%arg11 : memref<128x128xf32, #tpu.memory_space<vmem>>) dst(%dma_wait3A_43 : memref<10016x128xf32, #tpu.memory_space<vmem_shared>>)
          tpu.yield
        }) : () -> ()
      }
      %scan3A_21 = arith.constant 80 : i32
      %barrier3A_22 = arith.constant 0 : index
      tpu.barrier barrier_id(%barrier3A_22)
      %scan3A_23 = arith.constant 0 : i32
      %scan3A_24 = arith.constant 5 : i32
      %scan3A_25 = arith.addi %scan3A_23, %scan3A_24 : i32
      %scan3A_26 = arith.constant 1 : i32
      scf.for %scan3A_33 = %scan3A_23 to %scan3A_25 step %scan3A_26  : i32 {
        %mul3A_34 = arith.constant 1 : i32
        %mul3A_35 = arith.muli %scan3A_33, %mul3A_34 : i32
        %add3A = arith.constant 0 : i32
        %add3A_36 = arith.addi %add3A, %mul3A_35 : i32
        %mul3A_37 = arith.constant 5 : i32
        %mul3A_38 = arith.muli %arg1, %mul3A_37 : i32
        %add3A_39 = arith.addi %mul3A_38, %add3A_36 : i32
        %lt3A = arith.constant 78 : i32
        %lt3A_40 = arith.cmpi slt, %add3A_39, %lt3A : i32
        %convert_element_type3A_41 = arith.extui %lt3A_40 : i1 to i32
        %cond3A_42 = arith.constant 0 : i32
        %cond3A_43 = arith.cmpi ne, %convert_element_type3A_41, %cond3A_42 : i32
        scf.if %cond3A_43 {
          %mul3A_44 = arith.constant 128 : i32
          %mul3A_45 = arith.muli %add3A_39, %mul3A_44 : i32
          %multiple_of3A = tpu.assume_multiple %mul3A_45, 8 : i32
          "tpu.region"() ({
            %run_scoped3A = tpu.sem_alloc : memref<!tpu.dma_semaphore, #tpu.memory_space<semaphore_mem>>
            %dma_start3A = arith.constant 0 : i32
            %dma_start3A_46 = tpu.memref_slice %arg8[%multiple_of3A, %dma_start3A] : memref<10016x128xf32, #tpu.memory_space<vmem_shared>> -> memref<128x128xf32, #tpu.memory_space<vmem_shared>>
            %dma_start3A_47 = arith.constant 0 : i32
            %dma_start3A_48 = tpu.memref_slice %arg8[%multiple_of3A, %dma_start3A_47] : memref<10016x128xf32, #tpu.memory_space<vmem_shared>> -> memref<128x128xf32, #tpu.memory_space<vmem_shared>>
            tpu.enqueue_dma source(%dma_start3A_48 : memref<128x128xf32, #tpu.memory_space<vmem_shared>>) target(%arg11 : memref<128x128xf32, #tpu.memory_space<vmem>>) target_semaphore(%run_scoped3A : memref<!tpu.dma_semaphore, #tpu.memory_space<semaphore_mem>>)
            %dma_wait3A = arith.constant 0 : i32
            %dma_wait3A_49 = tpu.memref_slice %arg8[%multiple_of3A, %dma_wait3A] : memref<10016x128xf32, #tpu.memory_space<vmem_shared>> -> memref<128x128xf32, #tpu.memory_space<vmem_shared>>
            %dma_wait3A_50 = arith.constant 0 : i32
            %dma_wait3A_51 = tpu.memref_slice %arg8[%multiple_of3A, %dma_wait3A_50] : memref<10016x128xf32, #tpu.memory_space<vmem_shared>> -> memref<128x128xf32, #tpu.memory_space<vmem_shared>>
            tpu.wait_dma2 semaphore(%run_scoped3A : memref<!tpu.dma_semaphore, #tpu.memory_space<semaphore_mem>>) src(%dma_wait3A_51 : memref<128x128xf32, #tpu.memory_space<vmem_shared>>) dst(%arg11 : memref<128x128xf32, #tpu.memory_space<vmem>>)
            tpu.yield
          }) : () -> ()
          "tpu.region"() ({
            %run_scoped3A = tpu.sem_alloc : memref<!tpu.dma_semaphore, #tpu.memory_space<semaphore_mem>>
            %dma_start3A = arith.constant 0 : i32
            %dma_start3A_46 = tpu.memref_slice %arg6[%multiple_of3A, %dma_start3A] : memref<10000x128xf32, #tpu.memory_space<hbm>> -> memref<128x128xf32, #tpu.memory_space<hbm>>
            %dma_start3A_47 = arith.constant 0 : i32
            %dma_start3A_48 = tpu.memref_slice %arg6[%multiple_of3A, %dma_start3A_47] : memref<10000x128xf32, #tpu.memory_space<hbm>> -> memref<128x128xf32, #tpu.memory_space<hbm>>
            tpu.enqueue_dma source(%arg11 : memref<128x128xf32, #tpu.memory_space<vmem>>) target(%dma_start3A_48 : memref<128x128xf32, #tpu.memory_space<hbm>>) target_semaphore(%run_scoped3A : memref<!tpu.dma_semaphore, #tpu.memory_space<semaphore_mem>>)
            %dma_wait3A = arith.constant 0 : i32
            %dma_wait3A_49 = tpu.memref_slice %arg6[%multiple_of3A, %dma_wait3A] : memref<10000x128xf32, #tpu.memory_space<hbm>> -> memref<128x128xf32, #tpu.memory_space<hbm>>
            %dma_wait3A_50 = arith.constant 0 : i32
            %dma_wait3A_51 = tpu.memref_slice %arg6[%multiple_of3A, %dma_wait3A_50] : memref<10000x128xf32, #tpu.memory_space<hbm>> -> memref<128x128xf32, #tpu.memory_space<hbm>>
            tpu.wait_dma2 semaphore(%run_scoped3A : memref<!tpu.dma_semaphore, #tpu.memory_space<semaphore_mem>>) src(%arg11 : memref<128x128xf32, #tpu.memory_space<vmem>>) dst(%dma_wait3A_51 : memref<128x128xf32, #tpu.memory_space<hbm>>)
            tpu.yield
          }) : () -> ()
        } else {
        }
      }
      %scan3A_27 = arith.constant 5 : i32
      %eq3A_28 = arith.constant 15 : i32
      %eq3A_29 = arith.cmpi eq, %arg1, %eq3A_28 : i32
      %convert_element_type3A_30 = arith.extui %eq3A_29 : i1 to i32
      %cond3A_31 = arith.constant 0 : i32
      %cond3A_32 = arith.cmpi ne, %convert_element_type3A_30, %cond3A_31 : i32
      scf.if %cond3A_32 {
        "tpu.region"() ({
          %run_scoped3A = tpu.sem_alloc : memref<!tpu.dma_semaphore, #tpu.memory_space<semaphore_mem>>
          %dma_start3A = arith.constant 0 : i32
          %dma_start3A_33 = arith.constant 0 : i32
          %dma_start3A_34 = tpu.memref_slice %arg11[%dma_start3A, %dma_start3A_33] : memref<128x128xf32, #tpu.memory_space<vmem>> -> memref<16x128xf32, #tpu.memory_space<vmem>>
          %dma_start3A_35 = arith.constant 9984 : i32
          %dma_start3A_36 = arith.constant 0 : i32
          %dma_start3A_37 = tpu.memref_slice %arg8[%dma_start3A_35, %dma_start3A_36] : memref<10016x128xf32, #tpu.memory_space<vmem_shared>> -> memref<16x128xf32, #tpu.memory_space<vmem_shared>>
          %dma_start3A_38 = arith.constant 0 : i32
          %dma_start3A_39 = arith.constant 0 : i32
          %dma_start3A_40 = tpu.memref_slice %arg11[%dma_start3A_38, %dma_start3A_39] : memref<128x128xf32, #tpu.memory_space<vmem>> -> memref<16x128xf32, #tpu.memory_space<vmem>>
          %dma_start3A_41 = arith.constant 9984 : i32
          %dma_start3A_42 = arith.constant 0 : i32
          %dma_start3A_43 = tpu.memref_slice %arg8[%dma_start3A_41, %dma_start3A_42] : memref<10016x128xf32, #tpu.memory_space<vmem_shared>> -> memref<16x128xf32, #tpu.memory_space<vmem_shared>>
          tpu.enqueue_dma source(%dma_start3A_43 : memref<16x128xf32, #tpu.memory_space<vmem_shared>>) target(%dma_start3A_40 : memref<16x128xf32, #tpu.memory_space<vmem>>) target_semaphore(%run_scoped3A : memref<!tpu.dma_semaphore, #tpu.memory_space<semaphore_mem>>)
          %dma_wait3A = arith.constant 0 : i32
          %dma_wait3A_44 = arith.constant 0 : i32
          %dma_wait3A_45 = tpu.memref_slice %arg11[%dma_wait3A, %dma_wait3A_44] : memref<128x128xf32, #tpu.memory_space<vmem>> -> memref<16x128xf32, #tpu.memory_space<vmem>>
          %dma_wait3A_46 = arith.constant 9984 : i32
          %dma_wait3A_47 = arith.constant 0 : i32
          %dma_wait3A_48 = tpu.memref_slice %arg8[%dma_wait3A_46, %dma_wait3A_47] : memref<10016x128xf32, #tpu.memory_space<vmem_shared>> -> memref<16x128xf32, #tpu.memory_space<vmem_shared>>
          %dma_wait3A_49 = arith.constant 0 : i32
          %dma_wait3A_50 = arith.constant 0 : i32
          %dma_wait3A_51 = tpu.memref_slice %arg11[%dma_wait3A_49, %dma_wait3A_50] : memref<128x128xf32, #tpu.memory_space<vmem>> -> memref<16x128xf32, #tpu.memory_space<vmem>>
          %dma_wait3A_52 = arith.constant 9984 : i32
          %dma_wait3A_53 = arith.constant 0 : i32
          %dma_wait3A_54 = tpu.memref_slice %arg8[%dma_wait3A_52, %dma_wait3A_53] : memref<10016x128xf32, #tpu.memory_space<vmem_shared>> -> memref<16x128xf32, #tpu.memory_space<vmem_shared>>
          tpu.wait_dma2 semaphore(%run_scoped3A : memref<!tpu.dma_semaphore, #tpu.memory_space<semaphore_mem>>) src(%dma_wait3A_54 : memref<16x128xf32, #tpu.memory_space<vmem_shared>>) dst(%dma_wait3A_51 : memref<16x128xf32, #tpu.memory_space<vmem>>)
          tpu.yield
        }) : () -> ()
        "tpu.region"() ({
          %run_scoped3A = tpu.sem_alloc : memref<!tpu.dma_semaphore, #tpu.memory_space<semaphore_mem>>
          %dma_start3A = arith.constant 0 : i32
          %dma_start3A_33 = arith.constant 0 : i32
          %dma_start3A_34 = tpu.memref_slice %arg11[%dma_start3A, %dma_start3A_33] : memref<128x128xf32, #tpu.memory_space<vmem>> -> memref<16x128xf32, #tpu.memory_space<vmem>>
          %dma_start3A_35 = arith.constant 9984 : i32
          %dma_start3A_36 = arith.constant 0 : i32
          %dma_start3A_37 = tpu.memref_slice %arg6[%dma_start3A_35, %dma_start3A_36] : memref<10000x128xf32, #tpu.memory_space<hbm>> -> memref<16x128xf32, #tpu.memory_space<hbm>>
          %dma_start3A_38 = arith.constant 9984 : i32
          %dma_start3A_39 = arith.constant 0 : i32
          %dma_start3A_40 = tpu.memref_slice %arg6[%dma_start3A_38, %dma_start3A_39] : memref<10000x128xf32, #tpu.memory_space<hbm>> -> memref<16x128xf32, #tpu.memory_space<hbm>>
          %dma_start3A_41 = arith.constant 0 : i32
          %dma_start3A_42 = arith.constant 0 : i32
          %dma_start3A_43 = tpu.memref_slice %arg11[%dma_start3A_41, %dma_start3A_42] : memref<128x128xf32, #tpu.memory_space<vmem>> -> memref<16x128xf32, #tpu.memory_space<vmem>>
          tpu.enqueue_dma source(%dma_start3A_43 : memref<16x128xf32, #tpu.memory_space<vmem>>) target(%dma_start3A_40 : memref<16x128xf32, #tpu.memory_space<hbm>>) target_semaphore(%run_scoped3A : memref<!tpu.dma_semaphore, #tpu.memory_space<semaphore_mem>>)
          %dma_wait3A = arith.constant 0 : i32
          %dma_wait3A_44 = arith.constant 0 : i32
          %dma_wait3A_45 = tpu.memref_slice %arg11[%dma_wait3A, %dma_wait3A_44] : memref<128x128xf32, #tpu.memory_space<vmem>> -> memref<16x128xf32, #tpu.memory_space<vmem>>
          %dma_wait3A_46 = arith.constant 9984 : i32
          %dma_wait3A_47 = arith.constant 0 : i32
          %dma_wait3A_48 = tpu.memref_slice %arg6[%dma_wait3A_46, %dma_wait3A_47] : memref<10000x128xf32, #tpu.memory_space<hbm>> -> memref<16x128xf32, #tpu.memory_space<hbm>>
          %dma_wait3A_49 = arith.constant 9984 : i32
          %dma_wait3A_50 = arith.constant 0 : i32
          %dma_wait3A_51 = tpu.memref_slice %arg6[%dma_wait3A_49, %dma_wait3A_50] : memref<10000x128xf32, #tpu.memory_space<hbm>> -> memref<16x128xf32, #tpu.memory_space<hbm>>
          %dma_wait3A_52 = arith.constant 0 : i32
          %dma_wait3A_53 = arith.constant 0 : i32
          %dma_wait3A_54 = tpu.memref_slice %arg11[%dma_wait3A_52, %dma_wait3A_53] : memref<128x128xf32, #tpu.memory_space<vmem>> -> memref<16x128xf32, #tpu.memory_space<vmem>>
          tpu.wait_dma2 semaphore(%run_scoped3A : memref<!tpu.dma_semaphore, #tpu.memory_space<semaphore_mem>>) src(%dma_wait3A_54 : memref<16x128xf32, #tpu.memory_space<vmem>>) dst(%dma_wait3A_51 : memref<16x128xf32, #tpu.memory_space<hbm>>)
          tpu.yield
        }) : () -> ()
      } else {
      }
    } else {
    }
    %eq3A_2 = arith.constant 1 : i32
    %eq3A_3 = arith.cmpi eq, %arg0, %eq3A_2 : i32
    %convert_element_type3A_4 = arith.extui %eq3A_3 : i1 to i32
    %cond3A_5 = arith.constant 0 : i32
    %cond3A_6 = arith.cmpi ne, %convert_element_type3A_4, %cond3A_5 : i32
    scf.if %cond3A_6 {
      %scan3A = arith.constant 0 : i32
      %scan3A_7 = arith.constant 5 : i32
      %scan3A_8 = arith.addi %scan3A, %scan3A_7 : i32
      %scan3A_9 = arith.constant 1 : i32
      scf.for %scan3A_33 = %scan3A to %scan3A_8 step %scan3A_9  : i32 {
        %mul3A_34 = arith.constant 1 : i32
        %mul3A_35 = arith.muli %scan3A_33, %mul3A_34 : i32
        %add3A = arith.constant 0 : i32
        %add3A_36 = arith.addi %add3A, %mul3A_35 : i32
        %mul3A_37 = arith.constant 5 : i32
        %mul3A_38 = arith.muli %arg1, %mul3A_37 : i32
        %add3A_39 = arith.addi %mul3A_38, %add3A_36 : i32
        %lt3A = arith.constant 78 : i32
        %lt3A_40 = arith.cmpi slt, %add3A_39, %lt3A : i32
        %convert_element_type3A_41 = arith.extui %lt3A_40 : i1 to i32
        %cond3A_42 = arith.constant 0 : i32
        %cond3A_43 = arith.cmpi ne, %convert_element_type3A_41, %cond3A_42 : i32
        scf.if %cond3A_43 {
          %mul3A_44 = arith.constant 128 : i32
          %mul3A_45 = arith.muli %add3A_39, %mul3A_44 : i32
          %multiple_of3A = tpu.assume_multiple %mul3A_45, 8 : i32
          "tpu.region"() ({
            %run_scoped3A = tpu.sem_alloc : memref<!tpu.dma_semaphore, #tpu.memory_space<semaphore_mem>>
            %dma_start3A = arith.constant 0 : i32
            %dma_start3A_46 = tpu.memref_slice %arg3[%multiple_of3A, %dma_start3A] : memref<10000x128xf32, #tpu.memory_space<hbm>> -> memref<128x128xf32, #tpu.memory_space<hbm>>
            %dma_start3A_47 = arith.constant 0 : i32
            %dma_start3A_48 = tpu.memref_slice %arg3[%multiple_of3A, %dma_start3A_47] : memref<10000x128xf32, #tpu.memory_space<hbm>> -> memref<128x128xf32, #tpu.memory_space<hbm>>
            tpu.enqueue_dma source(%dma_start3A_48 : memref<128x128xf32, #tpu.memory_space<hbm>>) target(%arg11 : memref<128x128xf32, #tpu.memory_space<vmem>>) target_semaphore(%run_scoped3A : memref<!tpu.dma_semaphore, #tpu.memory_space<semaphore_mem>>)
            %dma_wait3A = arith.constant 0 : i32
            %dma_wait3A_49 = tpu.memref_slice %arg3[%multiple_of3A, %dma_wait3A] : memref<10000x128xf32, #tpu.memory_space<hbm>> -> memref<128x128xf32, #tpu.memory_space<hbm>>
            %dma_wait3A_50 = arith.constant 0 : i32
            %dma_wait3A_51 = tpu.memref_slice %arg3[%multiple_of3A, %dma_wait3A_50] : memref<10000x128xf32, #tpu.memory_space<hbm>> -> memref<128x128xf32, #tpu.memory_space<hbm>>
            tpu.wait_dma2 semaphore(%run_scoped3A : memref<!tpu.dma_semaphore, #tpu.memory_space<semaphore_mem>>) src(%dma_wait3A_51 : memref<128x128xf32, #tpu.memory_space<hbm>>) dst(%arg11 : memref<128x128xf32, #tpu.memory_space<vmem>>)
            tpu.yield
          }) : () -> ()
          "tpu.region"() ({
            %run_scoped3A = tpu.sem_alloc : memref<!tpu.dma_semaphore, #tpu.memory_space<semaphore_mem>>
            %dma_start3A = arith.constant 0 : i32
            %dma_start3A_46 = tpu.memref_slice %arg8[%multiple_of3A, %dma_start3A] : memref<10016x128xf32, #tpu.memory_space<vmem_shared>> -> memref<128x128xf32, #tpu.memory_space<vmem_shared>>
            %dma_start3A_47 = arith.constant 0 : i32
            %dma_start3A_48 = tpu.memref_slice %arg8[%multiple_of3A, %dma_start3A_47] : memref<10016x128xf32, #tpu.memory_space<vmem_shared>> -> memref<128x128xf32, #tpu.memory_space<vmem_shared>>
            tpu.enqueue_dma source(%arg11 : memref<128x128xf32, #tpu.memory_space<vmem>>) target(%dma_start3A_48 : memref<128x128xf32, #tpu.memory_space<vmem_shared>>) target_semaphore(%run_scoped3A : memref<!tpu.dma_semaphore, #tpu.memory_space<semaphore_mem>>)
            %dma_wait3A = arith.constant 0 : i32
            %dma_wait3A_49 = tpu.memref_slice %arg8[%multiple_of3A, %dma_wait3A] : memref<10016x128xf32, #tpu.memory_space<vmem_shared>> -> memref<128x128xf32, #tpu.memory_space<vmem_shared>>
            %dma_wait3A_50 = arith.constant 0 : i32
            %dma_wait3A_51 = tpu.memref_slice %arg8[%multiple_of3A, %dma_wait3A_50] : memref<10016x128xf32, #tpu.memory_space<vmem_shared>> -> memref<128x128xf32, #tpu.memory_space<vmem_shared>>
            tpu.wait_dma2 semaphore(%run_scoped3A : memref<!tpu.dma_semaphore, #tpu.memory_space<semaphore_mem>>) src(%arg11 : memref<128x128xf32, #tpu.memory_space<vmem>>) dst(%dma_wait3A_51 : memref<128x128xf32, #tpu.memory_space<vmem_shared>>)
            tpu.yield
          }) : () -> ()
        } else {
        }
      }
      %scan3A_10 = arith.constant 5 : i32
      %eq3A_11 = arith.constant 15 : i32
      %eq3A_12 = arith.cmpi eq, %arg1, %eq3A_11 : i32
      %convert_element_type3A_13 = arith.extui %eq3A_12 : i1 to i32
      %cond3A_14 = arith.constant 0 : i32
      %cond3A_15 = arith.cmpi ne, %convert_element_type3A_13, %cond3A_14 : i32
      scf.if %cond3A_15 {
        "tpu.region"() ({
          %run_scoped3A = tpu.sem_alloc : memref<!tpu.dma_semaphore, #tpu.memory_space<semaphore_mem>>
          %dma_start3A = arith.constant 0 : i32
          %dma_start3A_33 = arith.constant 0 : i32
          %dma_start3A_34 = tpu.memref_slice %arg11[%dma_start3A, %dma_start3A_33] : memref<128x128xf32, #tpu.memory_space<vmem>> -> memref<16x128xf32, #tpu.memory_space<vmem>>
          %dma_start3A_35 = arith.constant 9984 : i32
          %dma_start3A_36 = arith.constant 0 : i32
          %dma_start3A_37 = tpu.memref_slice %arg3[%dma_start3A_35, %dma_start3A_36] : memref<10000x128xf32, #tpu.memory_space<hbm>> -> memref<16x128xf32, #tpu.memory_space<hbm>>
          %dma_start3A_38 = arith.constant 0 : i32
          %dma_start3A_39 = arith.constant 0 : i32
          %dma_start3A_40 = tpu.memref_slice %arg11[%dma_start3A_38, %dma_start3A_39] : memref<128x128xf32, #tpu.memory_space<vmem>> -> memref<16x128xf32, #tpu.memory_space<vmem>>
          %dma_start3A_41 = arith.constant 9984 : i32
          %dma_start3A_42 = arith.constant 0 : i32
          %dma_start3A_43 = tpu.memref_slice %arg3[%dma_start3A_41, %dma_start3A_42] : memref<10000x128xf32, #tpu.memory_space<hbm>> -> memref<16x128xf32, #tpu.memory_space<hbm>>
          tpu.enqueue_dma source(%dma_start3A_43 : memref<16x128xf32, #tpu.memory_space<hbm>>) target(%dma_start3A_40 : memref<16x128xf32, #tpu.memory_space<vmem>>) target_semaphore(%run_scoped3A : memref<!tpu.dma_semaphore, #tpu.memory_space<semaphore_mem>>)
          %dma_wait3A = arith.constant 0 : i32
          %dma_wait3A_44 = arith.constant 0 : i32
          %dma_wait3A_45 = tpu.memref_slice %arg11[%dma_wait3A, %dma_wait3A_44] : memref<128x128xf32, #tpu.memory_space<vmem>> -> memref<16x128xf32, #tpu.memory_space<vmem>>
          %dma_wait3A_46 = arith.constant 9984 : i32
          %dma_wait3A_47 = arith.constant 0 : i32
          %dma_wait3A_48 = tpu.memref_slice %arg3[%dma_wait3A_46, %dma_wait3A_47] : memref<10000x128xf32, #tpu.memory_space<hbm>> -> memref<16x128xf32, #tpu.memory_space<hbm>>
          %dma_wait3A_49 = arith.constant 0 : i32
          %dma_wait3A_50 = arith.constant 0 : i32
          %dma_wait3A_51 = tpu.memref_slice %arg11[%dma_wait3A_49, %dma_wait3A_50] : memref<128x128xf32, #tpu.memory_space<vmem>> -> memref<16x128xf32, #tpu.memory_space<vmem>>
          %dma_wait3A_52 = arith.constant 9984 : i32
          %dma_wait3A_53 = arith.constant 0 : i32
          %dma_wait3A_54 = tpu.memref_slice %arg3[%dma_wait3A_52, %dma_wait3A_53] : memref<10000x128xf32, #tpu.memory_space<hbm>> -> memref<16x128xf32, #tpu.memory_space<hbm>>
          tpu.wait_dma2 semaphore(%run_scoped3A : memref<!tpu.dma_semaphore, #tpu.memory_space<semaphore_mem>>) src(%dma_wait3A_54 : memref<16x128xf32, #tpu.memory_space<hbm>>) dst(%dma_wait3A_51 : memref<16x128xf32, #tpu.memory_space<vmem>>)
          tpu.yield
        }) : () -> ()
        "tpu.region"() ({
          %run_scoped3A = tpu.sem_alloc : memref<!tpu.dma_semaphore, #tpu.memory_space<semaphore_mem>>
          %dma_start3A = arith.constant 0 : i32
          %dma_start3A_33 = arith.constant 0 : i32
          %dma_start3A_34 = tpu.memref_slice %arg11[%dma_start3A, %dma_start3A_33] : memref<128x128xf32, #tpu.memory_space<vmem>> -> memref<16x128xf32, #tpu.memory_space<vmem>>
          %dma_start3A_35 = arith.constant 9984 : i32
          %dma_start3A_36 = arith.constant 0 : i32
          %dma_start3A_37 = tpu.memref_slice %arg8[%dma_start3A_35, %dma_start3A_36] : memref<10016x128xf32, #tpu.memory_space<vmem_shared>> -> memref<16x128xf32, #tpu.memory_space<vmem_shared>>
          %dma_start3A_38 = arith.constant 9984 : i32
          %dma_start3A_39 = arith.constant 0 : i32
          %dma_start3A_40 = tpu.memref_slice %arg8[%dma_start3A_38, %dma_start3A_39] : memref<10016x128xf32, #tpu.memory_space<vmem_shared>> -> memref<16x128xf32, #tpu.memory_space<vmem_shared>>
          %dma_start3A_41 = arith.constant 0 : i32
          %dma_start3A_42 = arith.constant 0 : i32
          %dma_start3A_43 = tpu.memref_slice %arg11[%dma_start3A_41, %dma_start3A_42] : memref<128x128xf32, #tpu.memory_space<vmem>> -> memref<16x128xf32, #tpu.memory_space<vmem>>
          tpu.enqueue_dma source(%dma_start3A_43 : memref<16x128xf32, #tpu.memory_space<vmem>>) target(%dma_start3A_40 : memref<16x128xf32, #tpu.memory_space<vmem_shared>>) target_semaphore(%run_scoped3A : memref<!tpu.dma_semaphore, #tpu.memory_space<semaphore_mem>>)
          %dma_wait3A = arith.constant 0 : i32
          %dma_wait3A_44 = arith.constant 0 : i32
          %dma_wait3A_45 = tpu.memref_slice %arg11[%dma_wait3A, %dma_wait3A_44] : memref<128x128xf32, #tpu.memory_space<vmem>> -> memref<16x128xf32, #tpu.memory_space<vmem>>
          %dma_wait3A_46 = arith.constant 9984 : i32
          %dma_wait3A_47 = arith.constant 0 : i32
          %dma_wait3A_48 = tpu.memref_slice %arg8[%dma_wait3A_46, %dma_wait3A_47] : memref<10016x128xf32, #tpu.memory_space<vmem_shared>> -> memref<16x128xf32, #tpu.memory_space<vmem_shared>>
          %dma_wait3A_49 = arith.constant 9984 : i32
          %dma_wait3A_50 = arith.constant 0 : i32
          %dma_wait3A_51 = tpu.memref_slice %arg8[%dma_wait3A_49, %dma_wait3A_50] : memref<10016x128xf32, #tpu.memory_space<vmem_shared>> -> memref<16x128xf32, #tpu.memory_space<vmem_shared>>
          %dma_wait3A_52 = arith.constant 0 : i32
          %dma_wait3A_53 = arith.constant 0 : i32
          %dma_wait3A_54 = tpu.memref_slice %arg11[%dma_wait3A_52, %dma_wait3A_53] : memref<128x128xf32, #tpu.memory_space<vmem>> -> memref<16x128xf32, #tpu.memory_space<vmem>>
          tpu.wait_dma2 semaphore(%run_scoped3A : memref<!tpu.dma_semaphore, #tpu.memory_space<semaphore_mem>>) src(%dma_wait3A_54 : memref<16x128xf32, #tpu.memory_space<vmem>>) dst(%dma_wait3A_51 : memref<16x128xf32, #tpu.memory_space<vmem_shared>>)
          tpu.yield
        }) : () -> ()
      } else {
      }
      %barrier3A = arith.constant 0 : index
      tpu.barrier barrier_id(%barrier3A)
      %mul3A = arith.constant 10240 : i32
      %mul3A_16 = arith.muli %arg1, %mul3A : i32
      %scan3A_17 = arith.constant 0 : i32
      %scan3A_18 = arith.constant 80 : i32
      %scan3A_19 = arith.addi %scan3A_17, %scan3A_18 : i32
      %scan3A_20 = arith.constant 1 : i32
      scf.for %scan3A_33 = %scan3A_17 to %scan3A_19 step %scan3A_20  : i32 {
        %mul3A_34 = arith.constant 1 : i32
        %mul3A_35 = arith.muli %scan3A_33, %mul3A_34 : i32
        %add3A = arith.constant 0 : i32
        %add3A_36 = arith.addi %add3A, %mul3A_35 : i32
        %mul3A_37 = arith.constant 128 : i32
        %mul3A_38 = arith.muli %add3A_36, %mul3A_37 : i32
        %add3A_39 = arith.addi %mul3A_16, %mul3A_38 : i32
        %multiple_of3A = tpu.assume_multiple %add3A_39, 128 : i32
        "tpu.region"() ({
          %run_scoped3A = tpu.sem_alloc : memref<!tpu.dma_semaphore, #tpu.memory_space<semaphore_mem>>
          %dma_start3A = tpu.memref_slice %arg4[%multiple_of3A] : memref<163840xi32, #tpu.memory_space<hbm>> -> memref<128xi32, #tpu.memory_space<hbm>>
          %dma_start3A_40 = tpu.memref_slice %arg4[%multiple_of3A] : memref<163840xi32, #tpu.memory_space<hbm>> -> memref<128xi32, #tpu.memory_space<hbm>>
          tpu.enqueue_dma source(%dma_start3A_40 : memref<128xi32, #tpu.memory_space<hbm>>) target(%arg9 : memref<128xi32, #tpu.memory_space<vmem>>) target_semaphore(%run_scoped3A : memref<!tpu.dma_semaphore, #tpu.memory_space<semaphore_mem>>)
          %dma_wait3A = tpu.memref_slice %arg4[%multiple_of3A] : memref<163840xi32, #tpu.memory_space<hbm>> -> memref<128xi32, #tpu.memory_space<hbm>>
          %dma_wait3A_41 = tpu.memref_slice %arg4[%multiple_of3A] : memref<163840xi32, #tpu.memory_space<hbm>> -> memref<128xi32, #tpu.memory_space<hbm>>
          tpu.wait_dma2 semaphore(%run_scoped3A : memref<!tpu.dma_semaphore, #tpu.memory_space<semaphore_mem>>) src(%dma_wait3A_41 : memref<128xi32, #tpu.memory_space<hbm>>) dst(%arg9 : memref<128xi32, #tpu.memory_space<vmem>>)
          tpu.yield
        }) : () -> ()
        "tpu.region"() ({
          %run_scoped3A = tpu.sem_alloc : memref<!tpu.dma_semaphore, #tpu.memory_space<semaphore_mem>>
          %dma_start3A = tpu.memref_slice %arg5[%multiple_of3A] : memref<163840xi32, #tpu.memory_space<hbm>> -> memref<128xi32, #tpu.memory_space<hbm>>
          %dma_start3A_40 = tpu.memref_slice %arg5[%multiple_of3A] : memref<163840xi32, #tpu.memory_space<hbm>> -> memref<128xi32, #tpu.memory_space<hbm>>
          tpu.enqueue_dma source(%dma_start3A_40 : memref<128xi32, #tpu.memory_space<hbm>>) target(%arg10 : memref<128xi32, #tpu.memory_space<vmem>>) target_semaphore(%run_scoped3A : memref<!tpu.dma_semaphore, #tpu.memory_space<semaphore_mem>>)
          %dma_wait3A = tpu.memref_slice %arg5[%multiple_of3A] : memref<163840xi32, #tpu.memory_space<hbm>> -> memref<128xi32, #tpu.memory_space<hbm>>
          %dma_wait3A_41 = tpu.memref_slice %arg5[%multiple_of3A] : memref<163840xi32, #tpu.memory_space<hbm>> -> memref<128xi32, #tpu.memory_space<hbm>>
          tpu.wait_dma2 semaphore(%run_scoped3A : memref<!tpu.dma_semaphore, #tpu.memory_space<semaphore_mem>>) src(%dma_wait3A_41 : memref<128xi32, #tpu.memory_space<hbm>>) dst(%arg10 : memref<128xi32, #tpu.memory_space<vmem>>)
          tpu.yield
        }) : () -> ()
        "tpu.region"() ({
          %run_scoped3A = tpu.sem_alloc : memref<!tpu.dma_semaphore, #tpu.memory_space<semaphore_mem>>
          %dma_start3A = arith.constant 0 : i32
          %dma_start3A_40 = arith.constant 0 : i32
          %dma_start3A_41 = tpu.memref_slice %arg3[%dma_start3A, %dma_start3A_40] : memref<10000x128xf32, #tpu.memory_space<hbm>> -> memref<10000x128xf32, #tpu.memory_space<hbm>>
          tpu.enqueue_indirect_dma source(%dma_start3A_41 : memref<10000x128xf32, #tpu.memory_space<hbm>>) target(%arg11 : memref<128x128xf32, #tpu.memory_space<vmem>>) offsets(%arg9 : memref<128xi32, #tpu.memory_space<vmem>>) semaphore(%run_scoped3A : memref<!tpu.dma_semaphore, #tpu.memory_space<semaphore_mem>>)
          %dma_wait3A = arith.constant 0 : i32
          %dma_wait3A_42 = arith.constant 0 : i32
          %dma_wait3A_43 = tpu.memref_slice %arg3[%dma_wait3A, %dma_wait3A_42] : memref<10000x128xf32, #tpu.memory_space<hbm>> -> memref<10000x128xf32, #tpu.memory_space<hbm>>
          tpu.wait_indirect_dma semaphore(%run_scoped3A : memref<!tpu.dma_semaphore, #tpu.memory_space<semaphore_mem>>) src(%dma_wait3A_43 : memref<10000x128xf32, #tpu.memory_space<hbm>>) dst(%arg11 : memref<128x128xf32, #tpu.memory_space<vmem>>)
          tpu.yield
        }) : () -> ()
        "tpu.region"() ({
          %run_scoped3A = tpu.sem_alloc : memref<!tpu.dma_semaphore, #tpu.memory_space<semaphore_mem>>
          %dma_start3A = arith.constant 0 : i32
          %dma_start3A_40 = arith.constant 0 : i32
          %dma_start3A_41 = tpu.memref_slice %arg8[%dma_start3A, %dma_start3A_40] : memref<10016x128xf32, #tpu.memory_space<vmem_shared>> -> memref<10016x128xf32, #tpu.memory_space<vmem_shared>>
          tpu.enqueue_indirect_dma source(%arg11 : memref<128x128xf32, #tpu.memory_space<vmem>>) target(%dma_start3A_41 : memref<10016x128xf32, #tpu.memory_space<vmem_shared>>) offsets(%arg10 : memref<128xi32, #tpu.memory_space<vmem>>) semaphore(%run_scoped3A : memref<!tpu.dma_semaphore, #tpu.memory_space<semaphore_mem>>) {add = true}
          %dma_wait3A = arith.constant 0 : i32
          %dma_wait3A_42 = arith.constant 0 : i32
          %dma_wait3A_43 = tpu.memref_slice %arg8[%dma_wait3A, %dma_wait3A_42] : memref<10016x128xf32, #tpu.memory_space<vmem_shared>> -> memref<10016x128xf32, #tpu.memory_space<vmem_shared>>
          tpu.wait_indirect_dma semaphore(%run_scoped3A : memref<!tpu.dma_semaphore, #tpu.memory_space<semaphore_mem>>) src(%arg11 : memref<128x128xf32, #tpu.memory_space<vmem>>) dst(%dma_wait3A_43 : memref<10016x128xf32, #tpu.memory_space<vmem_shared>>)
          tpu.yield
        }) : () -> ()
      }
      %scan3A_21 = arith.constant 80 : i32
      %barrier3A_22 = arith.constant 0 : index
      tpu.barrier barrier_id(%barrier3A_22)
      %scan3A_23 = arith.constant 0 : i32
      %scan3A_24 = arith.constant 5 : i32
      %scan3A_25 = arith.addi %scan3A_23, %scan3A_24 : i32
      %scan3A_26 = arith.constant 1 : i32
      scf.for %scan3A_33 = %scan3A_23 to %scan3A_25 step %scan3A_26  : i32 {
        %mul3A_34 = arith.constant 1 : i32
        %mul3A_35 = arith.muli %scan3A_33, %mul3A_34 : i32
        %add3A = arith.constant 0 : i32
        %add3A_36 = arith.addi %add3A, %mul3A_35 : i32
        %mul3A_37 = arith.constant 5 : i32
        %mul3A_38 = arith.muli %arg1, %mul3A_37 : i32
        %add3A_39 = arith.addi %mul3A_38, %add3A_36 : i32
        %lt3A = arith.constant 78 : i32
        %lt3A_40 = arith.cmpi slt, %add3A_39, %lt3A : i32
        %convert_element_type3A_41 = arith.extui %lt3A_40 : i1 to i32
        %cond3A_42 = arith.constant 0 : i32
        %cond3A_43 = arith.cmpi ne, %convert_element_type3A_41, %cond3A_42 : i32
        scf.if %cond3A_43 {
          %mul3A_44 = arith.constant 128 : i32
          %mul3A_45 = arith.muli %add3A_39, %mul3A_44 : i32
          %multiple_of3A = tpu.assume_multiple %mul3A_45, 8 : i32
          "tpu.region"() ({
            %run_scoped3A = tpu.sem_alloc : memref<!tpu.dma_semaphore, #tpu.memory_space<semaphore_mem>>
            %dma_start3A = arith.constant 0 : i32
            %dma_start3A_46 = tpu.memref_slice %arg8[%multiple_of3A, %dma_start3A] : memref<10016x128xf32, #tpu.memory_space<vmem_shared>> -> memref<128x128xf32, #tpu.memory_space<vmem_shared>>
            %dma_start3A_47 = arith.constant 0 : i32
            %dma_start3A_48 = tpu.memref_slice %arg8[%multiple_of3A, %dma_start3A_47] : memref<10016x128xf32, #tpu.memory_space<vmem_shared>> -> memref<128x128xf32, #tpu.memory_space<vmem_shared>>
            tpu.enqueue_dma source(%dma_start3A_48 : memref<128x128xf32, #tpu.memory_space<vmem_shared>>) target(%arg11 : memref<128x128xf32, #tpu.memory_space<vmem>>) target_semaphore(%run_scoped3A : memref<!tpu.dma_semaphore, #tpu.memory_space<semaphore_mem>>)
            %dma_wait3A = arith.constant 0 : i32
            %dma_wait3A_49 = tpu.memref_slice %arg8[%multiple_of3A, %dma_wait3A] : memref<10016x128xf32, #tpu.memory_space<vmem_shared>> -> memref<128x128xf32, #tpu.memory_space<vmem_shared>>
            %dma_wait3A_50 = arith.constant 0 : i32
            %dma_wait3A_51 = tpu.memref_slice %arg8[%multiple_of3A, %dma_wait3A_50] : memref<10016x128xf32, #tpu.memory_space<vmem_shared>> -> memref<128x128xf32, #tpu.memory_space<vmem_shared>>
            tpu.wait_dma2 semaphore(%run_scoped3A : memref<!tpu.dma_semaphore, #tpu.memory_space<semaphore_mem>>) src(%dma_wait3A_51 : memref<128x128xf32, #tpu.memory_space<vmem_shared>>) dst(%arg11 : memref<128x128xf32, #tpu.memory_space<vmem>>)
            tpu.yield
          }) : () -> ()
          "tpu.region"() ({
            %run_scoped3A = tpu.sem_alloc : memref<!tpu.dma_semaphore, #tpu.memory_space<semaphore_mem>>
            %dma_start3A = arith.constant 0 : i32
            %dma_start3A_46 = tpu.memref_slice %arg7[%multiple_of3A, %dma_start3A] : memref<10000x128xf32, #tpu.memory_space<hbm>> -> memref<128x128xf32, #tpu.memory_space<hbm>>
            %dma_start3A_47 = arith.constant 0 : i32
            %dma_start3A_48 = tpu.memref_slice %arg7[%multiple_of3A, %dma_start3A_47] : memref<10000x128xf32, #tpu.memory_space<hbm>> -> memref<128x128xf32, #tpu.memory_space<hbm>>
            tpu.enqueue_dma source(%arg11 : memref<128x128xf32, #tpu.memory_space<vmem>>) target(%dma_start3A_48 : memref<128x128xf32, #tpu.memory_space<hbm>>) target_semaphore(%run_scoped3A : memref<!tpu.dma_semaphore, #tpu.memory_space<semaphore_mem>>)
            %dma_wait3A = arith.constant 0 : i32
            %dma_wait3A_49 = tpu.memref_slice %arg7[%multiple_of3A, %dma_wait3A] : memref<10000x128xf32, #tpu.memory_space<hbm>> -> memref<128x128xf32, #tpu.memory_space<hbm>>
            %dma_wait3A_50 = arith.constant 0 : i32
            %dma_wait3A_51 = tpu.memref_slice %arg7[%multiple_of3A, %dma_wait3A_50] : memref<10000x128xf32, #tpu.memory_space<hbm>> -> memref<128x128xf32, #tpu.memory_space<hbm>>
            tpu.wait_dma2 semaphore(%run_scoped3A : memref<!tpu.dma_semaphore, #tpu.memory_space<semaphore_mem>>) src(%arg11 : memref<128x128xf32, #tpu.memory_space<vmem>>) dst(%dma_wait3A_51 : memref<128x128xf32, #tpu.memory_space<hbm>>)
            tpu.yield
          }) : () -> ()
        } else {
        }
      }
      %scan3A_27 = arith.constant 5 : i32
      %eq3A_28 = arith.constant 15 : i32
      %eq3A_29 = arith.cmpi eq, %arg1, %eq3A_28 : i32
      %convert_element_type3A_30 = arith.extui %eq3A_29 : i1 to i32
      %cond3A_31 = arith.constant 0 : i32
      %cond3A_32 = arith.cmpi ne, %convert_element_type3A_30, %cond3A_31 : i32
      scf.if %cond3A_32 {
        "tpu.region"() ({
          %run_scoped3A = tpu.sem_alloc : memref<!tpu.dma_semaphore, #tpu.memory_space<semaphore_mem>>
          %dma_start3A = arith.constant 0 : i32
          %dma_start3A_33 = arith.constant 0 : i32
          %dma_start3A_34 = tpu.memref_slice %arg11[%dma_start3A, %dma_start3A_33] : memref<128x128xf32, #tpu.memory_space<vmem>> -> memref<16x128xf32, #tpu.memory_space<vmem>>
          %dma_start3A_35 = arith.constant 9984 : i32
          %dma_start3A_36 = arith.constant 0 : i32
          %dma_start3A_37 = tpu.memref_slice %arg8[%dma_start3A_35, %dma_start3A_36] : memref<10016x128xf32, #tpu.memory_space<vmem_shared>> -> memref<16x128xf32, #tpu.memory_space<vmem_shared>>
          %dma_start3A_38 = arith.constant 0 : i32
          %dma_start3A_39 = arith.constant 0 : i32
          %dma_start3A_40 = tpu.memref_slice %arg11[%dma_start3A_38, %dma_start3A_39] : memref<128x128xf32, #tpu.memory_space<vmem>> -> memref<16x128xf32, #tpu.memory_space<vmem>>
          %dma_start3A_41 = arith.constant 9984 : i32
          %dma_start3A_42 = arith.constant 0 : i32
          %dma_start3A_43 = tpu.memref_slice %arg8[%dma_start3A_41, %dma_start3A_42] : memref<10016x128xf32, #tpu.memory_space<vmem_shared>> -> memref<16x128xf32, #tpu.memory_space<vmem_shared>>
          tpu.enqueue_dma source(%dma_start3A_43 : memref<16x128xf32, #tpu.memory_space<vmem_shared>>) target(%dma_start3A_40 : memref<16x128xf32, #tpu.memory_space<vmem>>) target_semaphore(%run_scoped3A : memref<!tpu.dma_semaphore, #tpu.memory_space<semaphore_mem>>)
          %dma_wait3A = arith.constant 0 : i32
          %dma_wait3A_44 = arith.constant 0 : i32
          %dma_wait3A_45 = tpu.memref_slice %arg11[%dma_wait3A, %dma_wait3A_44] : memref<128x128xf32, #tpu.memory_space<vmem>> -> memref<16x128xf32, #tpu.memory_space<vmem>>
          %dma_wait3A_46 = arith.constant 9984 : i32
          %dma_wait3A_47 = arith.constant 0 : i32
          %dma_wait3A_48 = tpu.memref_slice %arg8[%dma_wait3A_46, %dma_wait3A_47] : memref<10016x128xf32, #tpu.memory_space<vmem_shared>> -> memref<16x128xf32, #tpu.memory_space<vmem_shared>>
          %dma_wait3A_49 = arith.constant 0 : i32
          %dma_wait3A_50 = arith.constant 0 : i32
          %dma_wait3A_51 = tpu.memref_slice %arg11[%dma_wait3A_49, %dma_wait3A_50] : memref<128x128xf32, #tpu.memory_space<vmem>> -> memref<16x128xf32, #tpu.memory_space<vmem>>
          %dma_wait3A_52 = arith.constant 9984 : i32
          %dma_wait3A_53 = arith.constant 0 : i32
          %dma_wait3A_54 = tpu.memref_slice %arg8[%dma_wait3A_52, %dma_wait3A_53] : memref<10016x128xf32, #tpu.memory_space<vmem_shared>> -> memref<16x128xf32, #tpu.memory_space<vmem_shared>>
          tpu.wait_dma2 semaphore(%run_scoped3A : memref<!tpu.dma_semaphore, #tpu.memory_space<semaphore_mem>>) src(%dma_wait3A_54 : memref<16x128xf32, #tpu.memory_space<vmem_shared>>) dst(%dma_wait3A_51 : memref<16x128xf32, #tpu.memory_space<vmem>>)
          tpu.yield
        }) : () -> ()
        "tpu.region"() ({
          %run_scoped3A = tpu.sem_alloc : memref<!tpu.dma_semaphore, #tpu.memory_space<semaphore_mem>>
          %dma_start3A = arith.constant 0 : i32
          %dma_start3A_33 = arith.constant 0 : i32
          %dma_start3A_34 = tpu.memref_slice %arg11[%dma_start3A, %dma_start3A_33] : memref<128x128xf32, #tpu.memory_space<vmem>> -> memref<16x128xf32, #tpu.memory_space<vmem>>
          %dma_start3A_35 = arith.constant 9984 : i32
          %dma_start3A_36 = arith.constant 0 : i32
          %dma_start3A_37 = tpu.memref_slice %arg7[%dma_start3A_35, %dma_start3A_36] : memref<10000x128xf32, #tpu.memory_space<hbm>> -> memref<16x128xf32, #tpu.memory_space<hbm>>
          %dma_start3A_38 = arith.constant 9984 : i32
          %dma_start3A_39 = arith.constant 0 : i32
          %dma_start3A_40 = tpu.memref_slice %arg7[%dma_start3A_38, %dma_start3A_39] : memref<10000x128xf32, #tpu.memory_space<hbm>> -> memref<16x128xf32, #tpu.memory_space<hbm>>
          %dma_start3A_41 = arith.constant 0 : i32
          %dma_start3A_42 = arith.constant 0 : i32
          %dma_start3A_43 = tpu.memref_slice %arg11[%dma_start3A_41, %dma_start3A_42] : memref<128x128xf32, #tpu.memory_space<vmem>> -> memref<16x128xf32, #tpu.memory_space<vmem>>
          tpu.enqueue_dma source(%dma_start3A_43 : memref<16x128xf32, #tpu.memory_space<vmem>>) target(%dma_start3A_40 : memref<16x128xf32, #tpu.memory_space<hbm>>) target_semaphore(%run_scoped3A : memref<!tpu.dma_semaphore, #tpu.memory_space<semaphore_mem>>)
          %dma_wait3A = arith.constant 0 : i32
          %dma_wait3A_44 = arith.constant 0 : i32
          %dma_wait3A_45 = tpu.memref_slice %arg11[%dma_wait3A, %dma_wait3A_44] : memref<128x128xf32, #tpu.memory_space<vmem>> -> memref<16x128xf32, #tpu.memory_space<vmem>>
          %dma_wait3A_46 = arith.constant 9984 : i32
          %dma_wait3A_47 = arith.constant 0 : i32
          %dma_wait3A_48 = tpu.memref_slice %arg7[%dma_wait3A_46, %dma_wait3A_47] : memref<10000x128xf32, #tpu.memory_space<hbm>> -> memref<16x128xf32, #tpu.memory_space<hbm>>
          %dma_wait3A_49 = arith.constant 9984 : i32
          %dma_wait3A_50 = arith.constant 0 : i32
          %dma_wait3A_51 = tpu.memref_slice %arg7[%dma_wait3A_49, %dma_wait3A_50] : memref<10000x128xf32, #tpu.memory_space<hbm>> -> memref<16x128xf32, #tpu.memory_space<hbm>>
          %dma_wait3A_52 = arith.constant 0 : i32
          %dma_wait3A_53 = arith.constant 0 : i32
          %dma_wait3A_54 = tpu.memref_slice %arg11[%dma_wait3A_52, %dma_wait3A_53] : memref<128x128xf32, #tpu.memory_space<vmem>> -> memref<16x128xf32, #tpu.memory_space<vmem>>
          tpu.wait_dma2 semaphore(%run_scoped3A : memref<!tpu.dma_semaphore, #tpu.memory_space<semaphore_mem>>) src(%dma_wait3A_54 : memref<16x128xf32, #tpu.memory_space<vmem>>) dst(%dma_wait3A_51 : memref<16x128xf32, #tpu.memory_space<hbm>>)
          tpu.yield
        }) : () -> ()
      } else {
      }
    } else {
    }
    return
  }
}

module attributes {stable_mosaic.version = 14 : i64} {
  func.func @_tc1_body(%arg0: i32, %arg1: memref<2000x1xf32, #tpu.memory_space<vmem>>, %arg2: memref<2000x1xf32, #tpu.memory_space<vmem>>, %arg3: memref<2000x256xf32, #tpu.memory_space<vmem>>, %arg4: memref<256x256xf32, #tpu.memory_space<vmem>>, %arg5: memref<2000x128xf32, #tpu.memory_space<vmem>>, %arg6: memref<2000x128xf32, #tpu.memory_space<vmem>>) attributes {dimension_semantics = [#tpu.dimension_semantics<arbitrary>], iteration_bounds = array<i64: 5>, scalar_prefetch = 0 : i64, scratch_operands = 0 : i64, tpu.core_type = #tpu.core_type<tc>, window_params = [{transform_indices = @transform_0, window_bounds = array<i64: 2000, 1>}, {transform_indices = @transform_1, window_bounds = array<i64: 2000, 1>}, {transform_indices = @transform_2, window_bounds = array<i64: 2000, 256>}, {pipeline_mode = #tpu.pipeline_mode<synchronous>, transform_indices = @transform_3, window_bounds = array<i64: 256, 256>}, {transform_indices = @transform_4, window_bounds = array<i64: 2000, 128>}, {transform_indices = @transform_5, window_bounds = array<i64: 2000, 128>}]} {
    %get3A = arith.constant 0 : index
    %get3A_0 = arith.constant 0 : index
    %get3A_1 = vector.load %arg1[%get3A, %get3A_0] : memref<2000x1xf32, #tpu.memory_space<vmem>>, vector<2000x1xf32>
    %get3A_2 = arith.constant 0 : index
    %get3A_3 = arith.constant 0 : index
    %get3A_4 = vector.load %arg2[%get3A_2, %get3A_3] : memref<2000x1xf32, #tpu.memory_space<vmem>>, vector<2000x1xf32>
    %add3A = arith.addf %get3A_1, %get3A_4 : vector<2000x1xf32>
    %add3A_5 = arith.constant 1.000000e+00 : f32
    %add3A_6 = vector.broadcast %add3A_5 : f32 to vector<2000x1xf32>
    %add3A_7 = arith.addf %add3A, %add3A_6 : vector<2000x1xf32>
    %rsqrt3A = math.rsqrt %add3A_7 : vector<2000x1xf32>
    %get3A_8 = arith.constant 0 : index
    %get3A_9 = arith.constant 0 : index
    %get3A_10 = vector.load %arg3[%get3A_8, %get3A_9] : memref<2000x256xf32, #tpu.memory_space<vmem>>, vector<2000x256xf32>
    %mul3A = vector.broadcast %rsqrt3A : vector<2000x1xf32> to vector<2000x256xf32>
    %mul3A_11 = arith.mulf %get3A_10, %mul3A : vector<2000x256xf32>
    %get3A_12 = arith.constant 0 : index
    %get3A_13 = arith.constant 0 : index
    %get3A_14 = vector.load %arg4[%get3A_12, %get3A_13] : memref<256x256xf32, #tpu.memory_space<vmem>>, vector<256x256xf32>
    %dot_general3A = arith.constant dense<0.000000e+00> : vector<2000x256xf32>
    %dot_general3A_15 = tpu.matmul %mul3A_11, %get3A_14, %dot_general3A {dimension_numbers = #tpu.dot_dimension_numbers<[1], [0], [0], [1], [0, 0, 1, 1], [], []>, precision = #tpu.contract_precision<fp32>, transpose_lhs_hint = false} : vector<2000x256xf32>, vector<256x256xf32>, vector<2000x256xf32> -> vector<2000x256xf32>
    %slice3A = vector.extract_strided_slice %dot_general3A_15 {offsets = [0, 0], sizes = [2000, 128], strides = [1, 1]} : vector<2000x256xf32> to vector<2000x128xf32>
    %swap3A = arith.constant 0 : index
    %swap3A_16 = arith.constant 0 : index
    %swap3A_17 = vector.load %arg5[%swap3A, %swap3A_16] : memref<2000x128xf32, #tpu.memory_space<vmem>>, vector<2000x128xf32>
    tpu.vector_store %arg5[%swap3A, %swap3A_16], %slice3A {strides = array<i32>} : memref<2000x128xf32, #tpu.memory_space<vmem>>, vector<2000x128xf32>,
    %slice3A_18 = vector.extract_strided_slice %dot_general3A_15 {offsets = [0, 128], sizes = [2000, 128], strides = [1, 1]} : vector<2000x256xf32> to vector<2000x128xf32>
    %swap3A_19 = arith.constant 0 : index
    %swap3A_20 = arith.constant 0 : index
    %swap3A_21 = vector.load %arg6[%swap3A_19, %swap3A_20] : memref<2000x128xf32, #tpu.memory_space<vmem>>, vector<2000x128xf32>
    tpu.vector_store %arg6[%swap3A_19, %swap3A_20], %slice3A_18 {strides = array<i32>} : memref<2000x128xf32, #tpu.memory_space<vmem>>, vector<2000x128xf32>,
    return
  }
  func.func @transform_0(%arg0: i32) -> (i32, i32) {
    %c0_i32 = arith.constant 0 : i32
    %c0_i32_0 = arith.constant 0 : i32
    return %arg0, %c0_i32 : i32, i32
  }
  func.func @transform_1(%arg0: i32) -> (i32, i32) {
    %c0_i32 = arith.constant 0 : i32
    %c0_i32_0 = arith.constant 0 : i32
    return %arg0, %c0_i32 : i32, i32
  }
  func.func @transform_2(%arg0: i32) -> (i32, i32) {
    %c0_i32 = arith.constant 0 : i32
    %c0_i32_0 = arith.constant 0 : i32
    return %arg0, %c0_i32 : i32, i32
  }
  func.func @transform_3(%arg0: i32) -> (i32, i32) {
    %c0_i32 = arith.constant 0 : i32
    %c0_i32_0 = arith.constant 0 : i32
    %c0_i32_1 = arith.constant 0 : i32
    return %c0_i32, %c0_i32_0 : i32, i32
  }
  func.func @transform_4(%arg0: i32) -> (i32, i32) {
    %c0_i32 = arith.constant 0 : i32
    %c0_i32_0 = arith.constant 0 : i32
    return %arg0, %c0_i32 : i32, i32
  }
  func.func @transform_5(%arg0: i32) -> (i32, i32) {
    %c0_i32 = arith.constant 0 : i32
    %c0_i32_0 = arith.constant 0 : i32
    return %arg0, %c0_i32 : i32, i32
  }
}

module attributes {stable_mosaic.version = 14 : i64} {
  func.func @_tc2_body(%arg0: i32, %arg1: memref<2000x1xf32, #tpu.memory_space<vmem>>, %arg2: memref<2000x1xf32, #tpu.memory_space<vmem>>, %arg3: memref<2000x128xf32, #tpu.memory_space<vmem>>, %arg4: memref<2000x128xf32, #tpu.memory_space<vmem>>, %arg5: memref<256xf32, #tpu.memory_space<vmem>>, %arg6: memref<256x256xf32, #tpu.memory_space<vmem>>, %arg7: memref<256x1xf32, #tpu.memory_space<vmem>>, %arg8: memref<2000x1xf32, #tpu.memory_space<vmem>>) attributes {dimension_semantics = [#tpu.dimension_semantics<arbitrary>], iteration_bounds = array<i64: 5>, scalar_prefetch = 0 : i64, scratch_operands = 0 : i64, tpu.core_type = #tpu.core_type<tc>, window_params = [{transform_indices = @transform_0, window_bounds = array<i64: 2000, 1>}, {transform_indices = @transform_1, window_bounds = array<i64: 2000, 1>}, {transform_indices = @transform_2, window_bounds = array<i64: 2000, 128>}, {transform_indices = @transform_3, window_bounds = array<i64: 2000, 128>}, {pipeline_mode = #tpu.pipeline_mode<synchronous>, transform_indices = @transform_4, window_bounds = array<i64: 256>}, {pipeline_mode = #tpu.pipeline_mode<synchronous>, transform_indices = @transform_5, window_bounds = array<i64: 256, 256>}, {pipeline_mode = #tpu.pipeline_mode<synchronous>, transform_indices = @transform_6, window_bounds = array<i64: 256, 1>}, {transform_indices = @transform_7, window_bounds = array<i64: 2000, 1>}]} {
    %get3A = arith.constant 0 : index
    %get3A_0 = arith.constant 0 : index
    %get3A_1 = vector.load %arg1[%get3A, %get3A_0] : memref<2000x1xf32, #tpu.memory_space<vmem>>, vector<2000x1xf32>
    %get3A_2 = arith.constant 0 : index
    %get3A_3 = arith.constant 0 : index
    %get3A_4 = vector.load %arg2[%get3A_2, %get3A_3] : memref<2000x1xf32, #tpu.memory_space<vmem>>, vector<2000x1xf32>
    %add3A = arith.addf %get3A_1, %get3A_4 : vector<2000x1xf32>
    %add3A_5 = arith.constant 1.000000e+00 : f32
    %add3A_6 = vector.broadcast %add3A_5 : f32 to vector<2000x1xf32>
    %add3A_7 = arith.addf %add3A, %add3A_6 : vector<2000x1xf32>
    %rsqrt3A = math.rsqrt %add3A_7 : vector<2000x1xf32>
    %get3A_8 = arith.constant 0 : index
    %get3A_9 = vector.load %arg5[%get3A_8] : memref<256xf32, #tpu.memory_space<vmem>>, vector<256xf32>
    %get3A_10 = arith.constant 0 : index
    %get3A_11 = arith.constant 0 : index
    %get3A_12 = vector.load %arg3[%get3A_10, %get3A_11] : memref<2000x128xf32, #tpu.memory_space<vmem>>, vector<2000x128xf32>
    %mul3A = vector.broadcast %rsqrt3A : vector<2000x1xf32> to vector<2000x128xf32>
    %mul3A_13 = arith.mulf %mul3A, %get3A_12 : vector<2000x128xf32>
    %slice3A = vector.extract_strided_slice %get3A_9 {offsets = [0], sizes = [128], strides = [1]} : vector<256xf32> to vector<128xf32>
    %broadcast_in_dim3A = vector.shape_cast %slice3A : vector<128xf32> to vector<1x128xf32>
    %add3A_14 = vector.broadcast %broadcast_in_dim3A : vector<1x128xf32> to vector<2000x128xf32>
    %add3A_15 = arith.addf %mul3A_13, %add3A_14 : vector<2000x128xf32>
    %max3A = arith.constant 0.000000e+00 : f32
    %max3A_16 = vector.broadcast %max3A : f32 to vector<2000x128xf32>
    %max3A_17 = arith.maximumf %add3A_15, %max3A_16 : vector<2000x128xf32>
    %get3A_18 = arith.constant 0 : index
    %get3A_19 = arith.constant 0 : index
    %get3A_20 = vector.load %arg4[%get3A_18, %get3A_19] : memref<2000x128xf32, #tpu.memory_space<vmem>>, vector<2000x128xf32>
    %mul3A_21 = vector.broadcast %rsqrt3A : vector<2000x1xf32> to vector<2000x128xf32>
    %mul3A_22 = arith.mulf %mul3A_21, %get3A_20 : vector<2000x128xf32>
    %slice3A_23 = vector.extract_strided_slice %get3A_9 {offsets = [128], sizes = [128], strides = [1]} : vector<256xf32> to vector<128xf32>
    %broadcast_in_dim3A_24 = vector.shape_cast %slice3A_23 : vector<128xf32> to vector<1x128xf32>
    %add3A_25 = vector.broadcast %broadcast_in_dim3A_24 : vector<1x128xf32> to vector<2000x128xf32>
    %add3A_26 = arith.addf %mul3A_22, %add3A_25 : vector<2000x128xf32>
    %max3A_27 = arith.constant 0.000000e+00 : f32
    %max3A_28 = vector.broadcast %max3A_27 : f32 to vector<2000x128xf32>
    %max3A_29 = arith.maximumf %add3A_26, %max3A_28 : vector<2000x128xf32>
    %get3A_30 = arith.constant 0 : index
    %get3A_31 = arith.constant 0 : index
    %get3A_32 = vector.load %arg6[%get3A_30, %get3A_31] : memref<256x256xf32, #tpu.memory_space<vmem>>, vector<256x256xf32>
    %get3A_33 = arith.constant 0 : index
    %get3A_34 = arith.constant 0 : index
    %get3A_35 = vector.load %arg7[%get3A_33, %get3A_34] : memref<256x1xf32, #tpu.memory_space<vmem>>, vector<256x1xf32>
    %dot_general3A = arith.constant dense<0.000000e+00> : vector<256x1xf32>
    %dot_general3A_36 = tpu.matmul %get3A_32, %get3A_35, %dot_general3A {dimension_numbers = #tpu.dot_dimension_numbers<[1], [0], [0], [1], [0, 0, 1, 1], [], []>, precision = #tpu.contract_precision<fp32>, transpose_lhs_hint = false} : vector<256x256xf32>, vector<256x1xf32>, vector<256x1xf32> -> vector<256x1xf32>
    %slice3A_37 = vector.extract_strided_slice %dot_general3A_36 {offsets = [0, 0], sizes = [128, 1], strides = [1, 1]} : vector<256x1xf32> to vector<128x1xf32>
    %dot_general3A_38 = arith.constant dense<0.000000e+00> : vector<2000x1xf32>
    %dot_general3A_39 = tpu.matmul %max3A_17, %slice3A_37, %dot_general3A_38 {dimension_numbers = #tpu.dot_dimension_numbers<[1], [0], [0], [1], [0, 0, 1, 1], [], []>, precision = #tpu.contract_precision<fp32>, transpose_lhs_hint = false} : vector<2000x128xf32>, vector<128x1xf32>, vector<2000x1xf32> -> vector<2000x1xf32>
    %slice3A_40 = vector.extract_strided_slice %dot_general3A_36 {offsets = [128, 0], sizes = [128, 1], strides = [1, 1]} : vector<256x1xf32> to vector<128x1xf32>
    %dot_general3A_41 = arith.constant dense<0.000000e+00> : vector<2000x1xf32>
    %dot_general3A_42 = tpu.matmul %max3A_29, %slice3A_40, %dot_general3A_41 {dimension_numbers = #tpu.dot_dimension_numbers<[1], [0], [0], [1], [0, 0, 1, 1], [], []>, precision = #tpu.contract_precision<fp32>, transpose_lhs_hint = false} : vector<2000x128xf32>, vector<128x1xf32>, vector<2000x1xf32> -> vector<2000x1xf32>
    %add3A_43 = arith.addf %dot_general3A_39, %dot_general3A_42 : vector<2000x1xf32>
    %mul3A_44 = arith.mulf %rsqrt3A, %add3A_43 : vector<2000x1xf32>
    %swap3A = arith.constant 0 : index
    %swap3A_45 = arith.constant 0 : index
    %swap3A_46 = vector.load %arg8[%swap3A, %swap3A_45] : memref<2000x1xf32, #tpu.memory_space<vmem>>, vector<2000x1xf32>
    tpu.vector_store %arg8[%swap3A, %swap3A_45], %mul3A_44 {strides = array<i32>} : memref<2000x1xf32, #tpu.memory_space<vmem>>, vector<2000x1xf32>,
    return
  }
  func.func @transform_0(%arg0: i32) -> (i32, i32) {
    %c0_i32 = arith.constant 0 : i32
    %c0_i32_0 = arith.constant 0 : i32
    return %arg0, %c0_i32 : i32, i32
  }
  func.func @transform_1(%arg0: i32) -> (i32, i32) {
    %c0_i32 = arith.constant 0 : i32
    %c0_i32_0 = arith.constant 0 : i32
    return %arg0, %c0_i32 : i32, i32
  }
  func.func @transform_2(%arg0: i32) -> (i32, i32) {
    %c0_i32 = arith.constant 0 : i32
    %c0_i32_0 = arith.constant 0 : i32
    return %arg0, %c0_i32 : i32, i32
  }
  func.func @transform_3(%arg0: i32) -> (i32, i32) {
    %c0_i32 = arith.constant 0 : i32
    %c0_i32_0 = arith.constant 0 : i32
    return %arg0, %c0_i32 : i32, i32
  }
  func.func @transform_4(%arg0: i32) -> i32 {
    %c0_i32 = arith.constant 0 : i32
    %c0_i32_0 = arith.constant 0 : i32
    return %c0_i32 : i32
  }
  func.func @transform_5(%arg0: i32) -> (i32, i32) {
    %c0_i32 = arith.constant 0 : i32
    %c0_i32_0 = arith.constant 0 : i32
    %c0_i32_1 = arith.constant 0 : i32
    return %c0_i32, %c0_i32_0 : i32, i32
  }
  func.func @transform_6(%arg0: i32) -> (i32, i32) {
    %c0_i32 = arith.constant 0 : i32
    %c0_i32_0 = arith.constant 0 : i32
    %c0_i32_1 = arith.constant 0 : i32
    return %c0_i32, %c0_i32_0 : i32, i32
  }
  func.func @transform_7(%arg0: i32) -> (i32, i32) {
    %c0_i32 = arith.constant 0 : i32
    %c0_i32_0 = arith.constant 0 : i32
    return %arg0, %c0_i32 : i32, i32
  }
}

module attributes {stable_mosaic.version = 14 : i64} {
  func.func @_tc3_body(%arg0: i32, %arg1: memref<2000x1xf32, #tpu.memory_space<vmem>>, %arg2: memref<2000x1xf32, #tpu.memory_space<vmem>>, %arg3: memref<2000x1xf32, #tpu.memory_space<vmem>>, %arg4: memref<2000x1xf32, #tpu.memory_space<vmem>>, %arg5: memref<2000x1xf32, #tpu.memory_space<vmem>>, %arg6: memref<2000x1xi32, #tpu.memory_space<vmem>>, %arg7: memref<256xf32, #tpu.memory_space<vmem>>, %arg8: memref<256x1xf32, #tpu.memory_space<vmem>>, %arg9: memref<1xf32, #tpu.memory_space<vmem>>, %arg10: memref<1x64xf32, #tpu.memory_space<vmem>>, %arg11: memref<1x64xf32, #tpu.memory_space<vmem>>, %arg12: memref<1x64xf32, #tpu.memory_space<vmem>>) attributes {dimension_semantics = [#tpu.dimension_semantics<arbitrary>], iteration_bounds = array<i64: 5>, scalar_prefetch = 0 : i64, scratch_operands = 2 : i64, tpu.core_type = #tpu.core_type<tc>, window_params = [{transform_indices = @transform_0, window_bounds = array<i64: 2000, 1>}, {transform_indices = @transform_1, window_bounds = array<i64: 2000, 1>}, {transform_indices = @transform_2, window_bounds = array<i64: 2000, 1>}, {transform_indices = @transform_3, window_bounds = array<i64: 2000, 1>}, {transform_indices = @transform_4, window_bounds = array<i64: 2000, 1>}, {transform_indices = @transform_5, window_bounds = array<i64: 2000, 1>}, {pipeline_mode = #tpu.pipeline_mode<synchronous>, transform_indices = @transform_6, window_bounds = array<i64: 256>}, {pipeline_mode = #tpu.pipeline_mode<synchronous>, transform_indices = @transform_7, window_bounds = array<i64: 256, 1>}, {pipeline_mode = #tpu.pipeline_mode<synchronous>, transform_indices = @transform_8, window_bounds = array<i64: 1>}, {pipeline_mode = #tpu.pipeline_mode<synchronous>, transform_indices = @transform_9, window_bounds = array<i64: 1, 64>}]} {
    %get3A = arith.constant 0 : index
    %get3A_0 = arith.constant 0 : index
    %get3A_1 = vector.load %arg1[%get3A, %get3A_0] : memref<2000x1xf32, #tpu.memory_space<vmem>>, vector<2000x1xf32>
    %get3A_2 = arith.constant 0 : index
    %get3A_3 = arith.constant 0 : index
    %get3A_4 = vector.load %arg2[%get3A_2, %get3A_3] : memref<2000x1xf32, #tpu.memory_space<vmem>>, vector<2000x1xf32>
    %add3A = arith.addf %get3A_1, %get3A_4 : vector<2000x1xf32>
    %add3A_5 = arith.constant 1.000000e+00 : f32
    %add3A_6 = vector.broadcast %add3A_5 : f32 to vector<2000x1xf32>
    %add3A_7 = arith.addf %add3A, %add3A_6 : vector<2000x1xf32>
    %rsqrt3A = math.rsqrt %add3A_7 : vector<2000x1xf32>
    %get3A_8 = arith.constant 0 : index
    %get3A_9 = arith.constant 0 : index
    %get3A_10 = vector.load %arg3[%get3A_8, %get3A_9] : memref<2000x1xf32, #tpu.memory_space<vmem>>, vector<2000x1xf32>
    %get3A_11 = arith.constant 0 : index
    %get3A_12 = arith.constant 0 : index
    %get3A_13 = vector.load %arg4[%get3A_11, %get3A_12] : memref<2000x1xf32, #tpu.memory_space<vmem>>, vector<2000x1xf32>
    %add3A_14 = arith.addf %get3A_10, %get3A_13 : vector<2000x1xf32>
    %get3A_15 = arith.constant 0 : index
    %get3A_16 = arith.constant 0 : index
    %get3A_17 = vector.load %arg5[%get3A_15, %get3A_16] : memref<2000x1xf32, #tpu.memory_space<vmem>>, vector<2000x1xf32>
    %add3A_18 = arith.addf %add3A_14, %get3A_17 : vector<2000x1xf32>
    %mul3A = arith.mulf %rsqrt3A, %add3A_18 : vector<2000x1xf32>
    %iota3A = tpu.iota {dimensions = array<i32: 1>} : vector<2000x64xi32>
    %get3A_19 = arith.constant 0 : index
    %get3A_20 = arith.constant 0 : index
    %get3A_21 = vector.load %arg6[%get3A_19, %get3A_20] : memref<2000x1xi32, #tpu.memory_space<vmem>>, vector<2000x1xi32>
    %eq3A = vector.broadcast %get3A_21 : vector<2000x1xi32> to vector<2000x64xi32>
    %eq3A_22 = arith.cmpi eq, %eq3A, %iota3A : vector<2000x64xi32>
    %convert_element_type3A = arith.extui %eq3A_22 : vector<2000x64xi1> to vector<2000x64xi32>
    %convert_element_type3A_23 = arith.sitofp %convert_element_type3A : vector<2000x64xi32> to vector<2000x64xf32>
    %eq3A_24 = arith.constant 0 : i32
    %eq3A_25 = arith.cmpi eq, %arg0, %eq3A_24 : i32
    %convert_element_type3A_26 = arith.extui %eq3A_25 : i1 to i32
    %cond3A = arith.constant 0 : i32
    %cond3A_27 = arith.cmpi ne, %convert_element_type3A_26, %cond3A : i32
    scf.if %cond3A_27 {
      %broadcast_in_dim3A_52 = arith.constant 0.000000e+00 : f32
      %broadcast_in_dim3A_53 = vector.broadcast %broadcast_in_dim3A_52 : f32 to vector<1x64xf32>
      %swap3A_54 = arith.constant 0 : index
      %swap3A_55 = arith.constant 0 : index
      %swap3A_56 = vector.load %arg11[%swap3A_54, %swap3A_55] : memref<1x64xf32, #tpu.memory_space<vmem>>, vector<1x64xf32>
      tpu.vector_store %arg11[%swap3A_54, %swap3A_55], %broadcast_in_dim3A_53 {strides = array<i32>} : memref<1x64xf32, #tpu.memory_space<vmem>>, vector<1x64xf32>,
      %broadcast_in_dim3A_57 = arith.constant 0.000000e+00 : f32
      %broadcast_in_dim3A_58 = vector.broadcast %broadcast_in_dim3A_57 : f32 to vector<1x64xf32>
      %swap3A_59 = arith.constant 0 : index
      %swap3A_60 = arith.constant 0 : index
      %swap3A_61 = vector.load %arg12[%swap3A_59, %swap3A_60] : memref<1x64xf32, #tpu.memory_space<vmem>>, vector<1x64xf32>
      tpu.vector_store %arg12[%swap3A_59, %swap3A_60], %broadcast_in_dim3A_58 {strides = array<i32>} : memref<1x64xf32, #tpu.memory_space<vmem>>, vector<1x64xf32>,
    } else {
    }
    %get3A_28 = arith.constant 0 : index
    %get3A_29 = arith.constant 0 : index
    %get3A_30 = vector.load %arg11[%get3A_28, %get3A_29] : memref<1x64xf32, #tpu.memory_space<vmem>>, vector<1x64xf32>
    %mul3A_31 = vector.broadcast %mul3A : vector<2000x1xf32> to vector<2000x64xf32>
    %mul3A_32 = arith.mulf %mul3A_31, %convert_element_type3A_23 : vector<2000x64xf32>
    %reduce_sum3A = arith.constant dense<0.000000e+00> : vector<64xf32>
    %reduce_sum3A_33 = vector.multi_reduction <add>, %mul3A_32, %reduce_sum3A [0] : vector<2000x64xf32> to vector<64xf32>
    %broadcast_in_dim3A = vector.shape_cast %reduce_sum3A_33 : vector<64xf32> to vector<1x64xf32>
    %add3A_34 = arith.addf %get3A_30, %broadcast_in_dim3A : vector<1x64xf32>
    %swap3A = arith.constant 0 : index
    %swap3A_35 = arith.constant 0 : index
    %swap3A_36 = vector.load %arg11[%swap3A, %swap3A_35] : memref<1x64xf32, #tpu.memory_space<vmem>>, vector<1x64xf32>
    tpu.vector_store %arg11[%swap3A, %swap3A_35], %add3A_34 {strides = array<i32>} : memref<1x64xf32, #tpu.memory_space<vmem>>, vector<1x64xf32>,
    %get3A_37 = arith.constant 0 : index
    %get3A_38 = arith.constant 0 : index
    %get3A_39 = vector.load %arg12[%get3A_37, %get3A_38] : memref<1x64xf32, #tpu.memory_space<vmem>>, vector<1x64xf32>
    %reduce_sum3A_40 = arith.constant dense<0.000000e+00> : vector<64xf32>
    %reduce_sum3A_41 = vector.multi_reduction <add>, %convert_element_type3A_23, %reduce_sum3A_40 [0] : vector<2000x64xf32> to vector<64xf32>
    %broadcast_in_dim3A_42 = vector.shape_cast %reduce_sum3A_41 : vector<64xf32> to vector<1x64xf32>
    %add3A_43 = arith.addf %get3A_39, %broadcast_in_dim3A_42 : vector<1x64xf32>
    %swap3A_44 = arith.constant 0 : index
    %swap3A_45 = arith.constant 0 : index
    %swap3A_46 = vector.load %arg12[%swap3A_44, %swap3A_45] : memref<1x64xf32, #tpu.memory_space<vmem>>, vector<1x64xf32>
    tpu.vector_store %arg12[%swap3A_44, %swap3A_45], %add3A_43 {strides = array<i32>} : memref<1x64xf32, #tpu.memory_space<vmem>>, vector<1x64xf32>,
    %eq3A_47 = arith.constant 4 : i32
    %eq3A_48 = arith.cmpi eq, %arg0, %eq3A_47 : i32
    %convert_element_type3A_49 = arith.extui %eq3A_48 : i1 to i32
    %cond3A_50 = arith.constant 0 : i32
    %cond3A_51 = arith.cmpi ne, %convert_element_type3A_49, %cond3A_50 : i32
    scf.if %cond3A_51 {
      %get3A_52 = arith.constant 0 : index
      %get3A_53 = vector.load %arg7[%get3A_52] : memref<256xf32, #tpu.memory_space<vmem>>, vector<256xf32>
      %broadcast_in_dim3A_54 = vector.shape_cast %get3A_53 : vector<256xf32> to vector<1x256xf32>
      %get3A_55 = arith.constant 0 : index
      %get3A_56 = arith.constant 0 : index
      %get3A_57 = vector.load %arg8[%get3A_55, %get3A_56] : memref<256x1xf32, #tpu.memory_space<vmem>>, vector<256x1xf32>
      %dot_general3A = arith.constant dense<0.000000e+00> : vector<1x1xf32>
      %dot_general3A_58 = tpu.matmul %broadcast_in_dim3A_54, %get3A_57, %dot_general3A {dimension_numbers = #tpu.dot_dimension_numbers<[1], [0], [0], [1], [0, 0, 1, 1], [], []>, precision = #tpu.contract_precision<fp32>, transpose_lhs_hint = false} : vector<1x256xf32>, vector<256x1xf32>, vector<1x1xf32> -> vector<1x1xf32>
      %get3A_59 = arith.constant 0 : index
      %get3A_60 = arith.constant 0 : index
      %get3A_61 = vector.load %arg12[%get3A_59, %get3A_60] : memref<1x64xf32, #tpu.memory_space<vmem>>, vector<1x64xf32>
      %get3A_62 = arith.constant 0 : index
      %get3A_63 = arith.constant 0 : index
      %get3A_64 = vector.load %arg11[%get3A_62, %get3A_63] : memref<1x64xf32, #tpu.memory_space<vmem>>, vector<1x64xf32>
      %max3A = arith.constant 1.000000e+00 : f32
      %max3A_65 = vector.broadcast %max3A : f32 to vector<1x64xf32>
      %max3A_66 = arith.maximumf %get3A_61, %max3A_65 : vector<1x64xf32>
      %div3A = arith.divf %get3A_64, %max3A_66 : vector<1x64xf32>
      %min3A = arith.constant 1.000000e+00 : f32
      %min3A_67 = vector.broadcast %min3A : f32 to vector<1x64xf32>
      %min3A_68 = arith.minimumf %get3A_61, %min3A_67 : vector<1x64xf32>
      %mul3A_69 = vector.broadcast %dot_general3A_58 : vector<1x1xf32> to vector<1x64xf32>
      %mul3A_70 = arith.mulf %min3A_68, %mul3A_69 : vector<1x64xf32>
      %add3A_71 = arith.addf %div3A, %mul3A_70 : vector<1x64xf32>
      %get3A_72 = arith.constant 0 : index
      %get3A_73 = vector.load %arg9[%get3A_72] : memref<1xf32, #tpu.memory_space<vmem>>, vector<1xf32>
      %broadcast_in_dim3A_74 = vector.shape_cast %get3A_73 : vector<1xf32> to vector<1x1xf32>
      %add3A_75 = vector.broadcast %broadcast_in_dim3A_74 : vector<1x1xf32> to vector<1x64xf32>
      %add3A_76 = arith.addf %add3A_71, %add3A_75 : vector<1x64xf32>
      %swap3A_77 = arith.constant 0 : index
      %swap3A_78 = arith.constant 0 : index
      %swap3A_79 = vector.load %arg10[%swap3A_77, %swap3A_78] : memref<1x64xf32, #tpu.memory_space<vmem>>, vector<1x64xf32>
      tpu.vector_store %arg10[%swap3A_77, %swap3A_78], %add3A_76 {strides = array<i32>} : memref<1x64xf32, #tpu.memory_space<vmem>>, vector<1x64xf32>,
    } else {
    }
    return
  }
  func.func @transform_0(%arg0: i32) -> (i32, i32) {
    %c0_i32 = arith.constant 0 : i32
    %c0_i32_0 = arith.constant 0 : i32
    return %arg0, %c0_i32 : i32, i32
  }
  func.func @transform_1(%arg0: i32) -> (i32, i32) {
    %c0_i32 = arith.constant 0 : i32
    %c0_i32_0 = arith.constant 0 : i32
    return %arg0, %c0_i32 : i32, i32
  }
  func.func @transform_2(%arg0: i32) -> (i32, i32) {
    %c0_i32 = arith.constant 0 : i32
    %c0_i32_0 = arith.constant 0 : i32
    return %arg0, %c0_i32 : i32, i32
  }
  func.func @transform_3(%arg0: i32) -> (i32, i32) {
    %c0_i32 = arith.constant 0 : i32
    %c0_i32_0 = arith.constant 0 : i32
    return %arg0, %c0_i32 : i32, i32
  }
  func.func @transform_4(%arg0: i32) -> (i32, i32) {
    %c0_i32 = arith.constant 0 : i32
    %c0_i32_0 = arith.constant 0 : i32
    return %arg0, %c0_i32 : i32, i32
  }
  func.func @transform_5(%arg0: i32) -> (i32, i32) {
    %c0_i32 = arith.constant 0 : i32
    %c0_i32_0 = arith.constant 0 : i32
    return %arg0, %c0_i32 : i32, i32
  }
  func.func @transform_6(%arg0: i32) -> i32 {
    %c0_i32 = arith.constant 0 : i32
    %c0_i32_0 = arith.constant 0 : i32
    return %c0_i32 : i32
  }
  func.func @transform_7(%arg0: i32) -> (i32, i32) {
    %c0_i32 = arith.constant 0 : i32
    %c0_i32_0 = arith.constant 0 : i32
    %c0_i32_1 = arith.constant 0 : i32
    return %c0_i32, %c0_i32_0 : i32, i32
  }
  func.func @transform_8(%arg0: i32) -> i32 {
    %c0_i32 = arith.constant 0 : i32
    %c0_i32_0 = arith.constant 0 : i32
    return %c0_i32 : i32
  }
  func.func @transform_9(%arg0: i32) -> (i32, i32) {
    %c0_i32 = arith.constant 0 : i32
    %c0_i32_0 = arith.constant 0 : i32
    %c0_i32_1 = arith.constant 0 : i32
    return %c0_i32, %c0_i32_0 : i32, i32
  }
}

</mosaic_0001>

<sc_bundles>
// kernel: kernel.11.cloned.1.call-start
scs
__scs_entry_jumppad:
0x0: {  	(pc) =	sbr.rel $0x88, $3  }
0x1: {  	(tag) =	ssettag $0x0;
	lr =	simm.s32 $0x1  }
0x2: {  	[smem:$0x3F98] =	sst lr;
	_ =	strace $0xD0000000  }
0x3: {  	_ = 	snop  }
0x4: {  	_ = 	snop  }
0x5: {  	_ = 	snop  }
0x6: {  	_ = 	snop  }
0x7: {  	_ = 	snop  }
__scs_overlays_trampoline_lowered:
0x8: {  	[smem:$0x3FA7] =	sst s0  }
0x9: {  	[smem:$0x3FA8] =	sst s1  }
0xa: {  	[smem:$0x3FA9] =	sst s2  }
0xb: {  	[smem:$0x3FAA] =	sst s3  }
0xc: {  	[smem:$0x3FAB] =	sst s4  }
0xd: {  	[smem:$0x3FAC] =	sst s5  }
0xe: {  	[smem:$0x3FAD] =	sst s6  }
0xf: {  	[smem:$0x3FAE] =	sst s7  }
0x10: {  	[smem:$0x3FAF] =	sst s8  }
0x11: {  	[smem:$0x3FB0] =	sst s9;
	s0 =	simm.s32 @!p0 $0x0  }
0x12: {  	s1 =	sld [smem:$0x3F96];
	s0 =	simm.s32 @p0 $0x1  }
0x13: {  	[smem:$0x3FB1] =	sst s0;
	s0 =	simm.s32 @!p1 $0x0  }
0x14: {  	s2 =	sld [smem:$0x3F95];
	s0 =	simm.s32 @p1 $0x1  }
0x15: {  	[smem:$0x3FB2] =	sst s0;
	s0 =	simm.s32 @!p2 $0x0  }
0x16: {  	s3 =	sld [smem:$0x3FDB];
	s0 =	simm.s32 @p2 $0x1  }
0x17: {  	s4 =	simm.s32 $0x1BF5;
	[smem:$0x3FB4] =	sst s0  }
0x18: {  	s0 =	sld [smem:$0x3F97];
	_ =	swait.ge [sflag:s4], $0x0  }
0x19: {  	s7 =	sld [smem:$0x3F98]  }
0x1a: {  	s8 =	sadd.s32 $0xFFFFE003, lr  }
0x1b: {  	s9 =	sadd.s32 $0xFFFFFEF7, lr;
	s5 =	simm.s32 $0xFFFFFFFF;
	p2 =	slt.u32 s8, $0xFFFFF086  }
0x1c: {  	p1 =	slt.u32 s9, $0xF7A;
	s5 =	simm.s32 @!p2 $0x0  }
0x1d: {  	s5 =	simm.s32 @p1 $0x1;
	p0 =	seq.s32 s7, s2  }
0x1e: {  	s7 =	smul.u32 @!p0 $0xF7A, s2;
	p2 =	seq.s32 @!p0 s5, $0x0  }
0x1f: {  	s9 =	smul.u32 $0xF7A, s1;
	s8 =	simm.s32 @!p0 $0x1BF5;
	p2 =	por !p2, p0  }
0x20: {  	[sflag:s8] =	ssyncset.s32 @!p0 $0xFFFFF086;
	s6 =	sadd.s32 @!p0 s3, s7;
	s7 =	simm.s32 @!p0 $0x108  }
0x21: {  	s3 =	sadd.s32 s3, s9;
	s6 =	sadd.s32 @!p0 $0x88, s6;
	s7 =	simm.s32 @p2 $0x1082  }
0x22: {  	[simem:s7], [sflag:s8] =	dma.local @!p0 [hbm:s6], $0xF7A  }
0x23: {  	s9 =	sor.u32 $0xD0000000, s2;
	s6 =	simm.s32 $0x108;
	_ =	swait.ge @!p0 [sflag:s8], $0x0  }
0x24: {  	s3 =	sadd.s32 $0x88, s3;
	s6 =	simm.s32 @!p1 $0x1082;
	[sflag:s4] =	ssyncset.s32 $0xFFFFF086  }
0x25: {  	[simem:s6], [sflag:s4] =	dma.local [hbm:s3], $0xF7A  }
0x26: {  	[smem:$0x3F98] =	sst s1;
	(tag) =	ssettag s2;
	_ =	strace s9  }
0x27: {  	s1 =	sld [smem:$0x3FA8]  }
0x28: {  	s2 =	sld [smem:$0x3FA9]  }
0x29: {  	s4 =	sld [smem:$0x3FAB]  }
0x2a: {  	p0 =	seq.s32 s5, $0x0;
	s5 =	sld [smem:$0x3FAC]  }
0x2b: {  	s6 =	sld [smem:$0x3FAD]  }
0x2c: {  	s7 =	sld [smem:$0x3FAE]  }
0x2d: {  	s3 =	simm.s32 $0x108;
	s8 =	sld [smem:$0x3FAF]  }
0x2e: {  	s3 =	simm.s32 @!p0 $0x1082;
	s9 =	sld [smem:$0x3FB0]  }
0x2f: {  	lr =	sadd.s32 s0, s3;
	s0 =	sld [smem:$0x3FA7]  }
0x30: {  	s3 =	sld [smem:$0x3FAA]  }
0x31: {  	[smem:$0x3FB3] =	sst s10  }
0x32: {  	s10 =	sld [smem:$0x3FB1];
	_ =	sdelay $0x3  }
0x33: {  	p0 =	seq.s32 s10, $0x1;
	s10 =	sld [smem:$0x3FB3];
	_ =	sdelay $0x3  }
0x34: {  	[smem:$0x3FB3] =	sst s10  }
0x35: {  	s10 =	sld [smem:$0x3FB2];
	_ =	sdelay $0x3  }
0x36: {  	p1 =	seq.s32 s10, $0x1;
	s10 =	sld [smem:$0x3FB3];
	_ =	sdelay $0x3  }
0x37: {  	[smem:$0x3FB3] =	sst s10  }
0x38: {  	s10 =	sld [smem:$0x3FB4]  }
0x39: {  	_ = 	snop;
	(pc) =	sbr.ind lr, $3  }
0x3a: {  	_ = 	snop  }
0x3b: {  	_ = 	snop  }
0x3c: {  	p2 =	seq.s32 s10, $0x1;
	s10 =	sld [smem:$0x3FB3]  }
0x3d: {  	_ =	shalt  }
0x3e: {  	_ =	shalt  }
0x3f: {  	_ =	shalt  }
0x40: {  	_ =	shalt  }
0x41: {  	_ =	shalt  }
0x42: {  	_ =	shalt  }
0x43: {  	_ =	shalt  }
0x44: {  	_ =	shalt  }
0x45: {  	_ =	shalt  }
0x46: {  	_ =	shalt  }
0x47: {  	_ =	shalt  }
0x48: {  	_ =	shalt  }
0x49: {  	_ =	shalt  }
0x4a: {  	_ =	shalt  }
0x4b: {  	_ =	shalt  }
0x4c: {  	_ =	shalt  }
0x4d: {  	_ =	shalt  }
0x4e: {  	_ =	shalt  }
0x4f: {  	_ =	shalt  }
0x50: {  	_ =	shalt  }
0x51: {  	_ =	shalt  }
0x52: {  	_ =	shalt  }
0x53: {  	_ =	shalt  }
0x54: {  	_ =	shalt  }
0x55: {  	_ =	shalt  }
0x56: {  	_ =	shalt  }
0x57: {  	_ =	shalt  }
0x58: {  	_ =	shalt  }
0x59: {  	_ =	shalt  }
0x5a: {  	_ =	shalt  }
0x5b: {  	_ =	shalt  }
0x5c: {  	_ =	shalt  }
0x5d: {  	_ =	shalt  }
0x5e: {  	_ =	shalt  }
0x5f: {  	_ =	shalt  }
0x60: {  	_ =	shalt  }
0x61: {  	_ =	shalt  }
0x62: {  	_ =	shalt  }
0x63: {  	_ =	shalt  }
0x64: {  	_ =	shalt  }
0x65: {  	_ =	shalt  }
0x66: {  	_ =	shalt  }
0x67: {  	_ =	shalt  }
0x68: {  	_ =	shalt  }
0x69: {  	_ =	shalt  }
0x6a: {  	_ =	shalt  }
0x6b: {  	_ =	shalt  }
0x6c: {  	_ =	shalt  }
0x6d: {  	_ =	shalt  }
0x6e: {  	_ =	shalt  }
0x6f: {  	_ =	shalt  }
0x70: {  	_ =	shalt  }
0x71: {  	_ =	shalt  }
0x72: {  	_ =	shalt  }
0x73: {  	_ =	shalt  }
0x74: {  	_ =	shalt  }
0x75: {  	_ =	shalt  }
0x76: {  	_ =	shalt  }
0x77: {  	_ =	shalt  }
0x78: {  	_ =	shalt  }
0x79: {  	_ =	shalt  }
0x7a: {  	_ =	shalt  }
0x7b: {  	_ =	shalt  }
0x7c: {  	_ =	shalt  }
0x7d: {  	_ =	shalt  }
0x7e: {  	_ =	shalt  }
0x7f: {  	_ =	shalt  }
0x80: {  	_ =	shalt  }
0x81: {  	_ =	shalt  }
0x82: {  	_ =	shalt  }
0x83: {  	_ =	shalt  }
0x84: {  	_ =	shalt  }
0x85: {  	_ =	shalt  }
0x86: {  	_ =	shalt  }
0x87: {  	_ =	shalt  }
.Lfunc_end0:
.L_simem_size_0:
called_computation.1_lowered:
.L_overlay_start_0:
0x88: {  	s2 =	sld [smem:$0x3FD9]  }
0x89: {  	s3 =	sld [smem:$0x3FFE];
	_ =	sdelay $0x1  }
0x8a: {  	s1 =	srdreg.scid  }
0x8b: {  	s0 =	sand.u32 $0x1, s1  }
0x8c: {  	s16 =	sshll.u32 s0, $0xA;
	s2 =	sadd.s32 s3, s2  }
0x8d: {  	s2 =	sadd.s32 s2, s16  }
0x8e: {  	[smem:$0x3FBF] =	sst s2  }
0x8f: {  	_ = 	snop  }
0x90: {  	(tm) =	ssettm $0x1  }
0x91: {  	s17 =	sld [smem:$0x3FFB];
	_ =	sdelay $0x3  }
0x92: {  	_ =	strace s17  }
0x93: {  	s2 =	sld [smem:$0x3FFC];
	_ =	sdelay $0x3  }
0x94: {  	_ =	strace s2  }
0x95: {  	s2 =	sld [smem:$0x3FFD];
	_ =	sdelay $0x3  }
0x96: {  	_ =	strace s2  }
0x97: {  	_ =	strace $0x8FFFFFFF  }
0x98: {  	s18 =	sld [smem:$0x3FDB];
	_ =	sdelay $0x1  }
0x99: {  	s19 =	simm.s32 $_scs_section_size  }
0x9a: {  	s4 =	simm.s32 $_size__tile_overlayer_lowered;
	s5 =	simm.s32 $_tile_overlayer_lowered  }
0x9b: {  	s22 =	simm.s32 $0x1BFF;
	s21 =	sshll.u32 s5, $0x1;
	s2 =	sadd.s32 s19, s18  }
0x9c: {  	s6 =	simm.s32 $0x0;
	s20 =	sshll.u32 s4, $0x1;
	s4 =	sadd.s32 s21, s2  }
0x9d: {  	[timem:s6], [sflag:s22] =	dma.local [hbm:s4], s20  }
0x9e: {  	_ =	swait.ge [sflag:s22], s20  }
0x9f: {  	s3 =	ssub.s32 $0x0, s20;
	[sflag:s22] =	ssyncset.done $0x0  }
0xa0: {  	[sflag:s22] =	ssyncadd.s32 s3;
	_ =	sdelay $0x1  }
0xa1: {  	s23 =	simm.s32 $0x1B8B  }
0xa2: {  	_ =	swait.ge [sflag:s23], $0x1  }
0xa3: {  	[sflag:s23] =	ssyncset.done $0x0  }
0xa4: {  	s25 =	simm.s32 $0x1B8E;
	s24 =	sld [smem:$0x3FFE];
	[sflag:s23] =	ssyncadd.s32 $0xFFFFFFFF  }
0xa5: {  	s26 =	simm.s32 $execute0_lowered;
	[smem:$0x3FD2] =	sst s25  }
0xa6: {  	s4 =	sshll.u32 s26, $0x1;
	_ =	strace $0x80000049;
	[dreg:$0x1] =	wrdreg $0xFFFFFFFF  }
0xa7: {  	s28 =	simm.s32 $_size_execute0_lowered;
	s2 =	sadd.s32 s2, s4;
	[dreg:$0x0] =	wrdreg $0x0  }
0xa8: {  	s4 =	sshll.u32 s28, $0x1;
	[dreg:$0x2] =	wrdreg s2  }
0xa9: {  	[dreg:$0x3] =	wrdreg s4  }
0xaa: {  	[dreg:$0x4] =	wrdreg $0xC0  }
0xab: {  	_ =	task [dreg:s6], $0x5FFFF  }
0xac: {  	[dreg:$0x1] =	wrdreg $0xFFFFFFFF  }
0xad: {  	[dreg:$0x0] =	wrdreg $0x60  }
0xae: {  	[dreg:$0x2] =	wrdreg s24  }
0xaf: {  	[dreg:$0x3] =	wrdreg $0x0  }
0xb0: {  	[dreg:$0x4] =	wrdreg $0x9  }
0xb1: {  	_ =	task.clear_ibuf [dreg:s6], $0x5FFFF;
	_ =	strace $0x90000049  }
0xb2: {  	s29 =	simm.s32 $0x9;
	_ =	strace $0x8000004B  }
0xb3: {  	_ =	swait.ge [sflag:s29], $0x1  }
0xb4: {  	[sflag:s29] =	ssyncadd.s32 $0xFFFFFFFF  }
0xb5: {  	_ =	strace $0x9000004B  }
0xb6: {  	_ =	sfence  }
0xb7: {  	s30 =	sld [smem:$0x0];
	_ =	sdelay $0x2  }
0xb8: {  	s31 =	sshll.u32 s1, $0xD;
	s1 =	sshrl.u32 s1, $0x2  }
0xb9: {  	s3 =	sand.u32 $0x4000, s31;
	s1 =	sadd.s32 s1, s30  }
0xba: {  	s0 =	sor.u32 s3, s0;
	s1 =	sshll.u32 s1, $0x11  }
0xbb: {  	s0 =	sor.u32 s1, s0  }
0xbc: {  	s0 =	sadd.s32 $0x8F2B, s0  }
0xbd: {  	[sflag:s0] =	ssyncadd.remote.s32 $0x1  }
0xbe: {  	_ =	sfence.sel $0xFFFF  }
0xbf: {  	[dreg:$0x0] =	wrdreg $0xFFFFFFFF;
	(pc) =	sbr.abs _section_cstart, $3  }
0xc0: {  	[dreg:$0x1] =	wrdreg $0xFFFFFFFF  }
0xc1: {  	_ =	task.clear_ibuf [dreg:s6], $0x2FFFF;
	_ =	strace $0x9FFFFFFF  }
0xc2: {  	(tm) =	ssettm $0x7FFFFFFF  }
0xc3: {  	_ =	shalt  }
tec
execute0_lowered:
.L_overlay_start_1:
0x0: {  	(tag) =	ssettag $0x1  }
0x1: {  	s0 =	rddreg [dreg:$0x0]  }
0x2: {  	s2 =	rddreg [dreg:$0x1];
	s3 =	simm.s32 $0x0;
	s21 =	stileid.u32  }
0x3: {  	s5 =	srdreg.scid;
	s28 =	simm.s32 $0x80;
	s29 =	simm.s32 $0x0  }
0x4: {  	[smem:$0x7FF] =	sst s3;
	s1 =	smul.u32 $0x500, s21;
	s4 =	sadd.s32 $0xD200, s0  }
0x5: {  	s8 =	sand.u32 $0x1, s5;
	s5 =	sadd.s32 $0x34400, s0;
	s6 =	sadd.s32 $0x5B600, s0  }
0x6: {  	s7 =	sadd.s32 $0x82800, s0;
	s31 =	smul.u32 $0x5, s21;
	s13 =	sadd.s32 $0x34200, s0  }
0x7: {  	s14 =	sadd.s32 $0x82600, s0;
	_ =	strace $0x8000004A;
	[dreg:$0x3] =	wrdreg s13  }
0x8: {  	s15 =	smul.u32 $0x50000, s21;
	s10 =	sadd.s32 $0x5B400, s0;
	[dreg:$0x4] =	wrdreg s14  }
0x9: {  	s26 =	ssub.s32 $0x2, s8;
	p0 =	seq.s32 s8, $0x1;
	[dreg:$0x5] =	wrdreg s10  }
0xa: {  	s16 =	sadd.s32 s1, s0;
	s9 =	sshrl.u32 s26, $0x1;
	s0 =	sadd.s32 $0xA9800, s0  }
0xb: {  	s17 =	sshrl.u32 s15, $0x2;
	s18 =	sadd.s32 $0x1, s31;
	s20 =	sadd.s32 $0x2, s31  }
0xc: {  	s23 =	sadd.s32 $0x3, s31;
	s30 =	sadd.s32 $0x4, s31;
	s1 =	ssub.s32 s26, s9  }
0xd: {  	[dreg:$0x6] =	wrdreg s0;
	s0 =	smul.u32 $0x2800, s21;
	s13 =	sadd.s32 s17, s2  }
0xe: {  	s19 =	sshll.u32 s18, $0xE;
	s9 =	sshll.u32 s18, $0xB;
	s22 =	sshll.u32 s20, $0xE  }
0xf: {  	s10 =	sshll.u32 s20, $0xB;
	s11 =	sshll.u32 s23, $0xB;
	s24 =	sshll.u32 s30, $0xB  }
0x10: {  	s8 =	sshll.u32 s30, $0xE;
	s14 =	sadd.s32 s19, s2;
	s18 =	sadd.s32 s4, s24  }
0x11: {  	s19 =	sadd.s32 s8, s2;
	s8 =	sadd.s32 s6, s9;
	[dreg:$0x7] =	wrdreg s18  }
0x12: {  	s12 =	smax.u32 s1, $0x1;
	s20 =	sadd.s32 s7, s9;
	[dreg:$0xe] =	wrdreg s8  }
0x13: {  	s15 =	sadd.s32 s22, s2;
	s22 =	sadd.s32 s4, s10;
	[dreg:$0x10] =	wrdreg s20  }
0x14: {  	s1 =	sshll.u32 s23, $0xE;
	s23 =	sadd.s32 s6, s10;
	[dreg:$0x11] =	wrdreg s22  }
0x15: {  	s17 =	sadd.s32 s1, s2;
	s1 =	sadd.s32 s5, s24;
	[dreg:$0x12] =	wrdreg s23  }
0x16: {  	p1 =	seq.s32 s21, $0xF;
	s25 =	sadd.s32 s4, s0;
	[dreg:$0x8] =	wrdreg s1  }
0x17: {  	s21 =	sadd.s32 $0x138000, s2;
	s26 =	sadd.s32 s6, s0;
	[dreg:$0x9] =	wrdreg s25  }
0x18: {  	s31 =	sadd.s32 s5, s0;
	s0 =	sadd.s32 s7, s0;
	[dreg:$0xa] =	wrdreg s26  }
0x19: {  	s18 =	sadd.s32 s5, s9;
	s24 =	sadd.s32 s5, s10;
	[dreg:$0xb] =	wrdreg s31  }
0x1a: {  	s20 =	sadd.s32 $0x8200, s16;
	s22 =	simm.s32 $0x13A00;
	[dreg:$0xc] =	wrdreg s0  }
0x1b: {  	s23 =	simm.s32 $0x2;
	s1 =	sadd.s32 s4, s9;
	[dreg:$0xf] =	wrdreg s18  }
.Ltmp0:
0x1c: {  	[dreg:$0x13] =	wrdreg s24;
	s25 =	sadd.s32 s7, s10;
	(pc) =	sbr.rel .LBB2_1-.Ltmp0, $4  }
0x1d: {  	s26 =	sadd.s32 s4, s11;
	s31 =	sadd.s32 s6, s11;
	[dreg:$0xd] =	wrdreg s1  }
0x1e: {  	s10 =	sadd.s32 s5, s11;
	s11 =	sadd.s32 s7, s11;
	[dreg:$0x14] =	wrdreg s25  }
0x1f: {  	s18 =	sadd.s32 $0x2400, s16;
	s24 =	simm.s32 $0x1;
	[dreg:$0x15] =	wrdreg s26  }
0x20: {  	[dreg:$0x16] =	wrdreg s31;
	s25 =	simm.s32 $0x13900;
	s26 =	simm.s32 $0x13980  }
.LBB2_7:
0x21: {  	s0 =	sadd.s32 s31, s20;
	[sflag:s24] =	ssyncadd.s32 $0xFFFFC000  }
0x22: {  	[tilespmem:s25], [sflag:$0x1] =	stream.linear.gather [hbm4b:s0+s3], $0x80, $0x38;
	[tilespmem:$0x17A00] =	vst v63  }
0x23: {  	_ =	swait.ge [sflag:s24], $0x80  }
0x24: {  	[sflag:s24] =	ssyncset.done $0x0  }
0x25: {  	s1 =	sadd.s32 s31, s18;
	[sflag:s24] =	ssyncadd.s32 $0xFFFFFF80  }
0x26: {  	[tilespmem:s26], [sflag:$0x1] =	stream.linear.gather [hbm4b:s1+s3], $0x80, $0x38;
	[tilespmem:$0x17A00] =	vst v63  }
0x27: {  	_ =	swait.ge [sflag:s24], $0x80  }
0x28: {  	[sflag:s24] =	ssyncset.done $0x0  }
0x29: {  	[sflag:s24] =	ssyncadd.s32 $0xFFFFFF80  }
0x2a: {  	[tilespmem:s22], [sflag:$0x1] =	stream.indirect.gather [hbm4b:s5+s28], $0x80, s25, s28, $0xb8;
	[tilespmem:$0x17A00] =	vst v63  }
0x2b: {  	_ =	swait.ge [sflag:s24], $0x4000  }
0x2c: {  	[sflag:s24] =	ssyncset.done $0x0  }
0x2d: {  	[sflag:s24] =	ssyncadd.s32 $0xFFFFC000  }
0x2e: {  	[spmem:s2] =	stream.indirect.scatter.add.f32 [tilespmem:s22], [sflag:$0x1], $0x80, s26, s28, $0xb8;
	[tilespmem:$0x17A00] =	vst v63  }
0x2f: {  	_ =	swait.ge [sflag:s24], $0x4000  }
0x30: {  	[sflag:s24] =	ssyncset.done $0x0  }
0x31: {  	[sflag:s24] =	ssyncadd.s32 $0xFFFFC000  }
0x32: {  	[bflag:$0x0] =	sbarrier.arrive $0xFFFF  }
0x33: {  	[tilespmem:s22], [sflag:$0x2] =	stream.linear.gather [spmem:s13], $0x4000, $0x38;
	[tilespmem:$0x17A00] =	vst v63  }
0x34: {  	_ =	swait.ge [sflag:s23], $0x4000  }
0x35: {  	[sflag:s23] =	ssyncset.done $0x0  }
0x36: {  	s8 =	rddreg [dreg:$0xc];
	[sflag:s23] =	ssyncadd.s32 $0xFFFFC000  }
0x37: {  	[hbm4b:s8+s3] =	stream.linear.scatter [tilespmem:s22], [sflag:$0x1], $0x4000, $0x38;
	[tilespmem:$0x17A00] =	vst v63  }
0x38: {  	_ =	swait.ge [sflag:s24], $0x4000  }
0x39: {  	[sflag:s24] =	ssyncset.done $0x0  }
0x3a: {  	[sflag:s24] =	ssyncadd.s32 $0xFFFFC000  }
0x3b: {  	[tilespmem:s22], [sflag:$0x2] =	stream.linear.gather [spmem:s14], $0x4000, $0x38;
	[tilespmem:$0x17A00] =	vst v63  }
0x3c: {  	_ =	swait.ge [sflag:s23], $0x4000  }
0x3d: {  	[sflag:s23] =	ssyncset.done $0x0  }
0x3e: {  	s9 =	rddreg [dreg:$0x10];
	[sflag:s23] =	ssyncadd.s32 $0xFFFFC000  }
0x3f: {  	[hbm4b:s9+s3] =	stream.linear.scatter [tilespmem:s22], [sflag:$0x1], $0x4000, $0x38;
	[tilespmem:$0x17A00] =	vst v63  }
0x40: {  	_ =	swait.ge [sflag:s24], $0x4000  }
0x41: {  	[sflag:s24] =	ssyncset.done $0x0  }
0x42: {  	[sflag:s24] =	ssyncadd.s32 $0xFFFFC000  }
0x43: {  	[tilespmem:s22], [sflag:$0x2] =	stream.linear.gather [spmem:s15], $0x4000, $0x38;
	[tilespmem:$0x17A00] =	vst v63  }
0x44: {  	_ =	swait.ge [sflag:s23], $0x4000  }
0x45: {  	[sflag:s23] =	ssyncset.done $0x0  }
0x46: {  	s31 =	rddreg [dreg:$0x14];
	[sflag:s23] =	ssyncadd.s32 $0xFFFFC000  }
0x47: {  	[hbm4b:s31+s3] =	stream.linear.scatter [tilespmem:s22], [sflag:$0x1], $0x4000, $0x38;
	[tilespmem:$0x17A00] =	vst v63  }
0x48: {  	_ =	swait.ge [sflag:s24], $0x4000  }
0x49: {  	[sflag:s24] =	ssyncset.done $0x0  }
0x4a: {  	s0 =	simm.s32 @p1 $0x13A00;
	s1 =	simm.s32 @p1 $0x1;
	[sflag:s24] =	ssyncadd.s32 $0xFFFFC000  }
0x4b: {  	[tilespmem:s0], [sflag:$0x1] =	stream.linear.gather @p1 [spmem:s21], $0x800, $0x38;
	[tilespmem:$0x17A00] =	vst v63  }
0x4c: {  	_ =	swait.ge @p1 [sflag:s1], $0x800  }
0x4d: {  	[sflag:s1] =	ssyncset.done @p1 $0x0  }
0x4e: {  	s8 =	simm.s32 @p1 $0x0;
	s9 =	rddreg [dreg:$0x6];
	[sflag:s1] =	ssyncadd.s32 @p1 $0xFFFFF800  }
0x4f: {  	[hbm4b:s9+s8] =	stream.linear.scatter @p1 [tilespmem:s0], [sflag:$0x1], $0x800, $0x38;
	[tilespmem:$0x17A00] =	vst v63  }
0x50: {  	_ =	swait.ge @p1 [sflag:s1], $0x800  }
0x51: {  	[sflag:s1] =	ssyncset.done @p1 $0x0  }
0x52: {  	s0 =	simm.s32 @!p1 $0x13A00;
	[sflag:s1] =	ssyncadd.s32 @p1 $0xFFFFF800;
	s1 =	simm.s32 @!p1 $0x2  }
0x53: {  	[tilespmem:s0], [sflag:$0x2] =	stream.linear.gather @!p1 [spmem:s17], $0x4000, $0x38;
	[tilespmem:$0x17A00] =	vst v63  }
0x54: {  	_ =	swait.ge @!p1 [sflag:s1], $0x4000  }
0x55: {  	[sflag:s1] =	ssyncset.done @!p1 $0x0  }
0x56: {  	s8 =	simm.s32 @!p1 $0x0;
	s9 =	simm.s32 @!p1 $0x1;
	[sflag:s1] =	ssyncadd.s32 @!p1 $0xFFFFC000  }
0x57: {  	[hbm4b:s11+s8] =	stream.linear.scatter @!p1 [tilespmem:s0], [sflag:$0x1], $0x4000, $0x38;
	[tilespmem:$0x17A00] =	vst v63  }
0x58: {  	_ =	swait.ge @!p1 [sflag:s9], $0x4000  }
0x59: {  	s31 =	sshll.u32 @!p1 s16, $0xE;
	[sflag:s9] =	ssyncset.done @!p1 $0x0  }
0x5a: {  	s31 =	sadd.s32 @!p1 s31, s2;
	[sflag:s9] =	ssyncadd.s32 @!p1 $0xFFFFC000  }
0x5b: {  	[tilespmem:s0], [sflag:$0x2] =	stream.linear.gather @!p1 [spmem:s31], $0x4000, $0x38;
	[tilespmem:$0x17A00] =	vst v63  }
0x5c: {  	_ =	swait.ge @!p1 [sflag:s1], $0x4000  }
0x5d: {  	s16 =	sshll.u32 @!p1 s16, $0xB;
	[sflag:s1] =	ssyncset.done @!p1 $0x0  }
0x5e: {  	[sflag:s1] =	ssyncadd.s32 @!p1 $0xFFFFC000;
	s1 =	sadd.s32 @!p1 s7, s16  }
0x5f: {  	[hbm4b:s1+s8] =	stream.linear.scatter @!p1 [tilespmem:s0], [sflag:$0x1], $0x4000, $0x38;
	[tilespmem:$0x17A00] =	vst v63  }
0x60: {  	_ =	swait.ge @!p1 [sflag:s9], $0x4000  }
0x61: {  	[sflag:s9] =	ssyncset.done @!p1 $0x0  }
0x62: {  	[sflag:s9] =	ssyncadd.s32 @!p1 $0xFFFFC000  }
.LBB2_8:
0x63: {  	s29 =	sadd.s32 $0x1, s29  }
0x64: {  	p2 =	sne.s32 s29, s12  }
.Ltmp1:
0x65: {  	_ = 	snop;
	(pc) =	sbr.rel @!p2 .LBB2_9-.Ltmp1, $1  }
0x66: {  	_ =	sdelay $0x3  }
.LBB2_1:
.Ltmp2:
0x67: {  	(pc) =	sbr.rel @!p0 .LBB2_2-.Ltmp2, $3  }
0x68: {  	_ =	sdelay $0x1  }
0x69: {  	s16 =	smov.u32 s30  }
0x6a: {  	s16 =	simm.s32 @p1 $0x4F  }
0x6b: {  	s0 =	rddreg [dreg:$0xb]  }
0x6c: {  	[tilespmem:s22], [sflag:$0x2] =	stream.linear.gather [hbm4b:s0+s3], $0x4000, $0x38;
	[tilespmem:$0x17A00] =	vst v63  }
0x6d: {  	_ =	swait.ge [sflag:s23], $0x4000  }
0x6e: {  	[sflag:s23] =	ssyncset.done $0x0  }
0x6f: {  	[sflag:s23] =	ssyncadd.s32 $0xFFFFC000  }
0x70: {  	[spmem:s13] =	stream.linear.scatter [tilespmem:s22], [sflag:$0x1], $0x4000, $0x38;
	[tilespmem:$0x17A00] =	vst v63  }
0x71: {  	_ =	swait.ge [sflag:s24], $0x4000  }
0x72: {  	[sflag:s24] =	ssyncset.done $0x0  }
0x73: {  	s9 =	rddreg [dreg:$0xf];
	[sflag:s24] =	ssyncadd.s32 $0xFFFFC000  }
0x74: {  	[tilespmem:s22], [sflag:$0x2] =	stream.linear.gather [hbm4b:s9+s3], $0x4000, $0x38;
	[tilespmem:$0x17A00] =	vst v63  }
0x75: {  	_ =	swait.ge [sflag:s23], $0x4000  }
0x76: {  	[sflag:s23] =	ssyncset.done $0x0  }
0x77: {  	[sflag:s23] =	ssyncadd.s32 $0xFFFFC000  }
0x78: {  	[spmem:s14] =	stream.linear.scatter [tilespmem:s22], [sflag:$0x1], $0x4000, $0x38;
	[tilespmem:$0x17A00] =	vst v63  }
0x79: {  	_ =	swait.ge [sflag:s24], $0x4000  }
0x7a: {  	[sflag:s24] =	ssyncset.done $0x0  }
0x7b: {  	s1 =	rddreg [dreg:$0x13];
	[sflag:s24] =	ssyncadd.s32 $0xFFFFC000  }
0x7c: {  	[tilespmem:s22], [sflag:$0x2] =	stream.linear.gather [hbm4b:s1+s3], $0x4000, $0x38;
	[tilespmem:$0x17A00] =	vst v63  }
0x7d: {  	_ =	swait.ge [sflag:s23], $0x4000  }
0x7e: {  	[sflag:s23] =	ssyncset.done $0x0  }
0x7f: {  	[sflag:s23] =	ssyncadd.s32 $0xFFFFC000  }
0x80: {  	[spmem:s15] =	stream.linear.scatter [tilespmem:s22], [sflag:$0x1], $0x4000, $0x38;
	[tilespmem:$0x17A00] =	vst v63  }
0x81: {  	_ =	swait.ge [sflag:s24], $0x4000  }
0x82: {  	s0 =	simm.s32 @p1 $0x0;
	[sflag:s24] =	ssyncset.done $0x0  }
0x83: {  	s1 =	simm.s32 @p1 $0x13A00;
	s8 =	rddreg [dreg:$0x5];
	[sflag:s24] =	ssyncadd.s32 $0xFFFFC000  }
0x84: {  	[tilespmem:s1], [sflag:$0x1] =	stream.linear.gather @p1 [hbm4b:s8+s0], $0x800, $0x38;
	[tilespmem:$0x17A00] =	vst v63  }
0x85: {  	s0 =	simm.s32 @p1 $0x1  }
0x86: {  	_ =	swait.ge @p1 [sflag:s0], $0x800  }
0x87: {  	[sflag:s0] =	ssyncset.done @p1 $0x0  }
0x88: {  	[sflag:s0] =	ssyncadd.s32 @p1 $0xFFFFF800  }
0x89: {  	[spmem:s21] =	stream.linear.scatter @p1 [tilespmem:s1], [sflag:$0x1], $0x800, $0x38;
	[tilespmem:$0x17A00] =	vst v63  }
0x8a: {  	_ =	swait.ge @p1 [sflag:s0], $0x800  }
0x8b: {  	s8 =	simm.s32 @!p1 $0x2;
	[sflag:s0] =	ssyncset.done @p1 $0x0  }
0x8c: {  	s1 =	simm.s32 @!p1 $0x13A00;
	[sflag:s0] =	ssyncadd.s32 @p1 $0xFFFFF800;
	s0 =	simm.s32 @!p1 $0x0  }
0x8d: {  	[tilespmem:s1], [sflag:$0x2] =	stream.linear.gather @!p1 [hbm4b:s10+s0], $0x4000, $0x38;
	[tilespmem:$0x17A00] =	vst v63  }
0x8e: {  	_ =	swait.ge @!p1 [sflag:s8], $0x4000  }
0x8f: {  	[sflag:s8] =	ssyncset.done @!p1 $0x0  }
0x90: {  	s9 =	simm.s32 @!p1 $0x1;
	[sflag:s8] =	ssyncadd.s32 @!p1 $0xFFFFC000  }
0x91: {  	[spmem:s17] =	stream.linear.scatter @!p1 [tilespmem:s1], [sflag:$0x1], $0x4000, $0x38;
	[tilespmem:$0x17A00] =	vst v63  }
0x92: {  	_ =	swait.ge @!p1 [sflag:s9], $0x4000  }
0x93: {  	[sflag:s9] =	ssyncset.done @!p1 $0x0  }
0x94: {  	s31 =	rddreg [dreg:$0x8];
	[sflag:s9] =	ssyncadd.s32 @!p1 $0xFFFFC000  }
0x95: {  	[tilespmem:s1], [sflag:$0x2] =	stream.linear.gather @!p1 [hbm4b:s31+s0], $0x4000, $0x38;
	[tilespmem:$0x17A00] =	vst v63  }
0x96: {  	_ =	swait.ge @!p1 [sflag:s8], $0x4000  }
0x97: {  	[sflag:s8] =	ssyncset.done @!p1 $0x0  }
0x98: {  	[sflag:s8] =	ssyncadd.s32 @!p1 $0xFFFFC000  }
0x99: {  	[spmem:s19] =	stream.linear.scatter @!p1 [tilespmem:s1], [sflag:$0x1], $0x4000, $0x38;
	[tilespmem:$0x17A00] =	vst v63  }
0x9a: {  	_ =	swait.ge @!p1 [sflag:s9], $0x4000  }
0x9b: {  	[sflag:s9] =	ssyncset.done @!p1 $0x0  }
0x9c: {  	[sflag:s9] =	ssyncadd.s32 @!p1 $0xFFFFC000  }
0x9d: {  	s8 =	sadd.s32 $0x0, s20;
	[bflag:$0x0] =	sbarrier.arrive $0xFFFF  }
0x9e: {  	[tilespmem:s25], [sflag:$0x1] =	stream.linear.gather [hbm4b:s8+s3], $0x80, $0x38;
	[tilespmem:$0x17A00] =	vst v63  }
0x9f: {  	_ =	swait.ge [sflag:s24], $0x80  }
0xa0: {  	[sflag:s24] =	ssyncset.done $0x0  }
0xa1: {  	s9 =	sadd.s32 $0x0, s18;
	[sflag:s24] =	ssyncadd.s32 $0xFFFFFF80  }
0xa2: {  	[tilespmem:s26], [sflag:$0x1] =	stream.linear.gather [hbm4b:s9+s3], $0x80, $0x38;
	[tilespmem:$0x17A00] =	vst v63  }
0xa3: {  	_ =	swait.ge [sflag:s24], $0x80  }
0xa4: {  	[sflag:s24] =	ssyncset.done $0x0  }
0xa5: {  	[sflag:s24] =	ssyncadd.s32 $0xFFFFFF80  }
0xa6: {  	[tilespmem:s22], [sflag:$0x1] =	stream.indirect.gather [hbm4b:s5+s28], $0x80, s25, s28, $0xb8;
	[tilespmem:$0x17A00] =	vst v63  }
0xa7: {  	_ =	swait.ge [sflag:s24], $0x4000  }
0xa8: {  	[sflag:s24] =	ssyncset.done $0x0  }
0xa9: {  	[sflag:s24] =	ssyncadd.s32 $0xFFFFC000  }
0xaa: {  	[spmem:s2] =	stream.indirect.scatter.add.f32 [tilespmem:s22], [sflag:$0x1], $0x80, s26, s28, $0xb8;
	[tilespmem:$0x17A00] =	vst v63  }
0xab: {  	_ =	swait.ge [sflag:s24], $0x4000  }
0xac: {  	s31 =	simm.s32 $0x10;
	s0 =	simm.s32 $0x20;
	[sflag:s24] =	ssyncset.done $0x0  }
.LBB2_6:
0xad: {  	s1 =	sadd.s32 s31, s20  }
0xae: {  	[sflag:s24] =	ssyncadd.s32 $0xFFFFC000;
	s8 =	smov.u32 s0;
	s9 =	sadd.s32 $0x10, s0  }
0xaf: {  	[tilespmem:s25], [sflag:$0x1] =	stream.linear.gather [hbm4b:s1+s3], $0x80, $0x38;
	[tilespmem:$0x17A00] =	vst v63  }
0xb0: {  	p2 =	sne.s32 s0, $0x4F0;
	_ =	swait.ge [sflag:s24], $0x80  }
0xb1: {  	[sflag:s24] =	ssyncset.done $0x0  }
0xb2: {  	s0 =	sadd.s32 s31, s18;
	s31 =	smov.u32 s8;
	[sflag:s24] =	ssyncadd.s32 $0xFFFFFF80  }
0xb3: {  	[tilespmem:s26], [sflag:$0x1] =	stream.linear.gather [hbm4b:s0+s3], $0x80, $0x38;
	[tilespmem:$0x17A00] =	vst v63  }
0xb4: {  	_ =	swait.ge [sflag:s24], $0x80  }
0xb5: {  	[sflag:s24] =	ssyncset.done $0x0  }
0xb6: {  	[sflag:s24] =	ssyncadd.s32 $0xFFFFFF80  }
0xb7: {  	[tilespmem:s22], [sflag:$0x1] =	stream.indirect.gather [hbm4b:s5+s28], $0x80, s25, s28, $0xb8;
	[tilespmem:$0x17A00] =	vst v63  }
0xb8: {  	_ =	swait.ge [sflag:s24], $0x4000  }
.Ltmp3:
0xb9: {  	[sflag:s24] =	ssyncset.done $0x0;
	(pc) =	sbr.rel @p2 .LBB2_6-.Ltmp3, $4  }
0xba: {  	[sflag:s24] =	ssyncadd.s32 $0xFFFFC000  }
0xbb: {  	[spmem:s2] =	stream.indirect.scatter.add.f32 [tilespmem:s22], [sflag:$0x1], $0x80, s26, s28, $0xb8;
	[tilespmem:$0x17A00] =	vst v63  }
0xbc: {  	_ =	swait.ge [sflag:s24], $0x4000  }
0xbd: {  	s0 =	smov.u32 s9;
	[sflag:s24] =	ssyncset.done $0x0  }
.Ltmp4:
0xbe: {  	_ = 	snop;
	(pc) =	sbr.rel .LBB2_7-.Ltmp4, $1  }
0xbf: {  	_ =	sdelay $0x3  }
.LBB2_2:
0xc0: {  	s0 =	rddreg [dreg:$0x9]  }
0xc1: {  	[tilespmem:s22], [sflag:$0x2] =	stream.linear.gather [hbm4b:s0+s3], $0x4000, $0x38;
	[tilespmem:$0x17A00] =	vst v63  }
0xc2: {  	_ =	swait.ge [sflag:s23], $0x4000  }
0xc3: {  	[sflag:s23] =	ssyncset.done $0x0  }
0xc4: {  	[sflag:s23] =	ssyncadd.s32 $0xFFFFC000  }
0xc5: {  	[spmem:s13] =	stream.linear.scatter [tilespmem:s22], [sflag:$0x1], $0x4000, $0x38;
	[tilespmem:$0x17A00] =	vst v63  }
0xc6: {  	_ =	swait.ge [sflag:s24], $0x4000  }
0xc7: {  	[sflag:s24] =	ssyncset.done $0x0  }
0xc8: {  	s9 =	rddreg [dreg:$0xd];
	[sflag:s24] =	ssyncadd.s32 $0xFFFFC000  }
0xc9: {  	[tilespmem:s22], [sflag:$0x2] =	stream.linear.gather [hbm4b:s9+s3], $0x4000, $0x38;
	[tilespmem:$0x17A00] =	vst v63  }
0xca: {  	_ =	swait.ge [sflag:s23], $0x4000  }
0xcb: {  	[sflag:s23] =	ssyncset.done $0x0  }
0xcc: {  	[sflag:s23] =	ssyncadd.s32 $0xFFFFC000  }
0xcd: {  	[spmem:s14] =	stream.linear.scatter [tilespmem:s22], [sflag:$0x1], $0x4000, $0x38;
	[tilespmem:$0x17A00] =	vst v63  }
0xce: {  	_ =	swait.ge [sflag:s24], $0x4000  }
0xcf: {  	[sflag:s24] =	ssyncset.done $0x0  }
0xd0: {  	s1 =	rddreg [dreg:$0x11];
	[sflag:s24] =	ssyncadd.s32 $0xFFFFC000  }
0xd1: {  	[tilespmem:s22], [sflag:$0x2] =	stream.linear.gather [hbm4b:s1+s3], $0x4000, $0x38;
	[tilespmem:$0x17A00] =	vst v63  }
0xd2: {  	_ =	swait.ge [sflag:s23], $0x4000  }
0xd3: {  	[sflag:s23] =	ssyncset.done $0x0  }
0xd4: {  	[sflag:s23] =	ssyncadd.s32 $0xFFFFC000  }
0xd5: {  	[spmem:s15] =	stream.linear.scatter [tilespmem:s22], [sflag:$0x1], $0x4000, $0x38;
	[tilespmem:$0x17A00] =	vst v63  }
0xd6: {  	_ =	swait.ge [sflag:s24], $0x4000  }
0xd7: {  	s31 =	simm.s32 @p1 $0x13A00;
	[sflag:s24] =	ssyncset.done $0x0  }
0xd8: {  	s0 =	simm.s32 @p1 $0x0;
	s1 =	rddreg [dreg:$0x3];
	[sflag:s24] =	ssyncadd.s32 $0xFFFFC000  }
0xd9: {  	[tilespmem:s31], [sflag:$0x1] =	stream.linear.gather @p1 [hbm4b:s1+s0], $0x800, $0x38;
	[tilespmem:$0x17A00] =	vst v63  }
0xda: {  	s0 =	simm.s32 @p1 $0x1  }
0xdb: {  	_ =	swait.ge @p1 [sflag:s0], $0x800  }
0xdc: {  	[sflag:s0] =	ssyncset.done @p1 $0x0  }
0xdd: {  	[sflag:s0] =	ssyncadd.s32 @p1 $0xFFFFF800  }
0xde: {  	[spmem:s21] =	stream.linear.scatter @p1 [tilespmem:s31], [sflag:$0x1], $0x800, $0x38;
	[tilespmem:$0x17A00] =	vst v63  }
0xdf: {  	_ =	swait.ge @p1 [sflag:s0], $0x800  }
0xe0: {  	s31 =	simm.s32 @!p1 $0x13A00;
	[sflag:s0] =	ssyncset.done @p1 $0x0  }
0xe1: {  	s1 =	rddreg [dreg:$0x15];
	[sflag:s0] =	ssyncadd.s32 @p1 $0xFFFFF800;
	s0 =	simm.s32 @!p1 $0x0  }
0xe2: {  	[tilespmem:s31], [sflag:$0x2] =	stream.linear.gather @!p1 [hbm4b:s1+s0], $0x4000, $0x38;
	[tilespmem:$0x17A00] =	vst v63  }
0xe3: {  	s1 =	simm.s32 @!p1 $0x2  }
0xe4: {  	_ =	swait.ge @!p1 [sflag:s1], $0x4000  }
0xe5: {  	[sflag:s1] =	ssyncset.done @!p1 $0x0  }
0xe6: {  	s8 =	simm.s32 @!p1 $0x1;
	[sflag:s1] =	ssyncadd.s32 @!p1 $0xFFFFC000  }
0xe7: {  	[spmem:s17] =	stream.linear.scatter @!p1 [tilespmem:s31], [sflag:$0x1], $0x4000, $0x38;
	[tilespmem:$0x17A00] =	vst v63  }
0xe8: {  	_ =	swait.ge @!p1 [sflag:s8], $0x4000  }
0xe9: {  	[sflag:s8] =	ssyncset.done @!p1 $0x0  }
0xea: {  	s9 =	rddreg [dreg:$0x7];
	[sflag:s8] =	ssyncadd.s32 @!p1 $0xFFFFC000  }
0xeb: {  	[tilespmem:s31], [sflag:$0x2] =	stream.linear.gather @!p1 [hbm4b:s9+s0], $0x4000, $0x38;
	[tilespmem:$0x17A00] =	vst v63  }
0xec: {  	_ =	swait.ge @!p1 [sflag:s1], $0x4000  }
0xed: {  	[sflag:s1] =	ssyncset.done @!p1 $0x0  }
0xee: {  	[sflag:s1] =	ssyncadd.s32 @!p1 $0xFFFFC000  }
0xef: {  	[spmem:s19] =	stream.linear.scatter @!p1 [tilespmem:s31], [sflag:$0x1], $0x4000, $0x38;
	[tilespmem:$0x17A00] =	vst v63  }
0xf0: {  	_ =	swait.ge @!p1 [sflag:s8], $0x4000  }
0xf1: {  	[sflag:s8] =	ssyncset.done @!p1 $0x0  }
0xf2: {  	[sflag:s8] =	ssyncadd.s32 @!p1 $0xFFFFC000  }
0xf3: {  	s8 =	sadd.s32 $0x0, s20;
	[bflag:$0x0] =	sbarrier.arrive $0xFFFF  }
0xf4: {  	[tilespmem:s25], [sflag:$0x1] =	stream.linear.gather [hbm4b:s8+s3], $0x80, $0x38;
	[tilespmem:$0x17A00] =	vst v63  }
0xf5: {  	_ =	swait.ge [sflag:s24], $0x80  }
0xf6: {  	[sflag:s24] =	ssyncset.done $0x0  }
0xf7: {  	s9 =	sadd.s32 $0x0, s18;
	[sflag:s24] =	ssyncadd.s32 $0xFFFFFF80  }
0xf8: {  	[tilespmem:s26], [sflag:$0x1] =	stream.linear.gather [hbm4b:s9+s3], $0x80, $0x38;
	[tilespmem:$0x17A00] =	vst v63  }
0xf9: {  	_ =	swait.ge [sflag:s24], $0x80  }
0xfa: {  	[sflag:s24] =	ssyncset.done $0x0  }
0xfb: {  	[sflag:s24] =	ssyncadd.s32 $0xFFFFFF80  }
0xfc: {  	[tilespmem:s22], [sflag:$0x1] =	stream.indirect.gather [hbm4b:s4+s28], $0x80, s25, s28, $0xb8;
	[tilespmem:$0x17A00] =	vst v63  }
0xfd: {  	_ =	swait.ge [sflag:s24], $0x4000  }
0xfe: {  	[sflag:s24] =	ssyncset.done $0x0  }
0xff: {  	[sflag:s24] =	ssyncadd.s32 $0xFFFFC000  }
0x100: {  	[spmem:s2] =	stream.indirect.scatter.add.f32 [tilespmem:s22], [sflag:$0x1], $0x80, s26, s28, $0xb8;
	[tilespmem:$0x17A00] =	vst v63  }
0x101: {  	_ =	swait.ge [sflag:s24], $0x4000  }
0x102: {  	s0 =	simm.s32 $0x20;
	s31 =	simm.s32 $0x10;
	[sflag:s24] =	ssyncset.done $0x0  }
.LBB2_3:
0x103: {  	s1 =	sadd.s32 s31, s20  }
0x104: {  	[sflag:s24] =	ssyncadd.s32 $0xFFFFC000;
	s8 =	smov.u32 s0;
	s9 =	sadd.s32 $0x10, s0  }
0x105: {  	[tilespmem:s25], [sflag:$0x1] =	stream.linear.gather [hbm4b:s1+s3], $0x80, $0x38;
	[tilespmem:$0x17A00] =	vst v63  }
0x106: {  	p2 =	sne.s32 s0, $0x4F0;
	_ =	swait.ge [sflag:s24], $0x80  }
0x107: {  	[sflag:s24] =	ssyncset.done $0x0  }
0x108: {  	s0 =	sadd.s32 s31, s18;
	s31 =	smov.u32 s8;
	[sflag:s24] =	ssyncadd.s32 $0xFFFFFF80  }
0x109: {  	[tilespmem:s26], [sflag:$0x1] =	stream.linear.gather [hbm4b:s0+s3], $0x80, $0x38;
	[tilespmem:$0x17A00] =	vst v63  }
0x10a: {  	_ =	swait.ge [sflag:s24], $0x80  }
0x10b: {  	[sflag:s24] =	ssyncset.done $0x0  }
0x10c: {  	[sflag:s24] =	ssyncadd.s32 $0xFFFFFF80  }
0x10d: {  	[tilespmem:s22], [sflag:$0x1] =	stream.indirect.gather [hbm4b:s4+s28], $0x80, s25, s28, $0xb8;
	[tilespmem:$0x17A00] =	vst v63  }
0x10e: {  	_ =	swait.ge [sflag:s24], $0x4000  }
.Ltmp5:
0x10f: {  	[sflag:s24] =	ssyncset.done $0x0;
	(pc) =	sbr.rel @p2 .LBB2_3-.Ltmp5, $4  }
0x110: {  	[sflag:s24] =	ssyncadd.s32 $0xFFFFC000  }
0x111: {  	[spmem:s2] =	stream.indirect.scatter.add.f32 [tilespmem:s22], [sflag:$0x1], $0x80, s26, s28, $0xb8;
	[tilespmem:$0x17A00] =	vst v63  }
0x112: {  	_ =	swait.ge [sflag:s24], $0x4000  }
0x113: {  	s0 =	smov.u32 s9;
	[sflag:s24] =	ssyncset.done $0x0  }
0x114: {  	s0 =	sadd.s32 s31, s20;
	[sflag:s24] =	ssyncadd.s32 $0xFFFFC000  }
0x115: {  	[tilespmem:s25], [sflag:$0x1] =	stream.linear.gather [hbm4b:s0+s3], $0x80, $0x38;
	[tilespmem:$0x17A00] =	vst v63  }
0x116: {  	_ =	swait.ge [sflag:s24], $0x80  }
0x117: {  	[sflag:s24] =	ssyncset.done $0x0  }
0x118: {  	s1 =	sadd.s32 s31, s18;
	[sflag:s24] =	ssyncadd.s32 $0xFFFFFF80  }
0x119: {  	[tilespmem:s26], [sflag:$0x1] =	stream.linear.gather [hbm4b:s1+s3], $0x80, $0x38;
	[tilespmem:$0x17A00] =	vst v63  }
0x11a: {  	_ =	swait.ge [sflag:s24], $0x80  }
0x11b: {  	[sflag:s24] =	ssyncset.done $0x0  }
0x11c: {  	[sflag:s24] =	ssyncadd.s32 $0xFFFFFF80  }
0x11d: {  	[tilespmem:s22], [sflag:$0x1] =	stream.indirect.gather [hbm4b:s4+s28], $0x80, s25, s28, $0xb8;
	[tilespmem:$0x17A00] =	vst v63  }
0x11e: {  	_ =	swait.ge [sflag:s24], $0x4000  }
0x11f: {  	[sflag:s24] =	ssyncset.done $0x0  }
0x120: {  	[sflag:s24] =	ssyncadd.s32 $0xFFFFC000  }
0x121: {  	[spmem:s2] =	stream.indirect.scatter.add.f32 [tilespmem:s22], [sflag:$0x1], $0x80, s26, s28, $0xb8;
	[tilespmem:$0x17A00] =	vst v63  }
0x122: {  	_ =	swait.ge [sflag:s24], $0x4000  }
0x123: {  	[sflag:s24] =	ssyncset.done $0x0  }
0x124: {  	[sflag:s24] =	ssyncadd.s32 $0xFFFFC000  }
0x125: {  	[bflag:$0x0] =	sbarrier.arrive $0xFFFF  }
0x126: {  	[tilespmem:s22], [sflag:$0x2] =	stream.linear.gather [spmem:s13], $0x4000, $0x38;
	[tilespmem:$0x17A00] =	vst v63  }
0x127: {  	_ =	swait.ge [sflag:s23], $0x4000  }
0x128: {  	[sflag:s23] =	ssyncset.done $0x0  }
0x129: {  	s8 =	rddreg [dreg:$0xa];
	[sflag:s23] =	ssyncadd.s32 $0xFFFFC000  }
0x12a: {  	[hbm4b:s8+s3] =	stream.linear.scatter [tilespmem:s22], [sflag:$0x1], $0x4000, $0x38;
	[tilespmem:$0x17A00] =	vst v63  }
0x12b: {  	_ =	swait.ge [sflag:s24], $0x4000  }
0x12c: {  	[sflag:s24] =	ssyncset.done $0x0  }
0x12d: {  	[sflag:s24] =	ssyncadd.s32 $0xFFFFC000  }
0x12e: {  	[tilespmem:s22], [sflag:$0x2] =	stream.linear.gather [spmem:s14], $0x4000, $0x38;
	[tilespmem:$0x17A00] =	vst v63  }
0x12f: {  	_ =	swait.ge [sflag:s23], $0x4000  }
0x130: {  	[sflag:s23] =	ssyncset.done $0x0  }
0x131: {  	s9 =	rddreg [dreg:$0xe];
	[sflag:s23] =	ssyncadd.s32 $0xFFFFC000  }
0x132: {  	[hbm4b:s9+s3] =	stream.linear.scatter [tilespmem:s22], [sflag:$0x1], $0x4000, $0x38;
	[tilespmem:$0x17A00] =	vst v63  }
0x133: {  	_ =	swait.ge [sflag:s24], $0x4000  }
0x134: {  	[sflag:s24] =	ssyncset.done $0x0  }
0x135: {  	[sflag:s24] =	ssyncadd.s32 $0xFFFFC000  }
0x136: {  	[tilespmem:s22], [sflag:$0x2] =	stream.linear.gather [spmem:s15], $0x4000, $0x38;
	[tilespmem:$0x17A00] =	vst v63  }
0x137: {  	_ =	swait.ge [sflag:s23], $0x4000  }
0x138: {  	[sflag:s23] =	ssyncset.done $0x0  }
0x139: {  	s31 =	rddreg [dreg:$0x12];
	[sflag:s23] =	ssyncadd.s32 $0xFFFFC000  }
0x13a: {  	[hbm4b:s31+s3] =	stream.linear.scatter [tilespmem:s22], [sflag:$0x1], $0x4000, $0x38;
	[tilespmem:$0x17A00] =	vst v63  }
0x13b: {  	_ =	swait.ge [sflag:s24], $0x4000  }
0x13c: {  	[sflag:s24] =	ssyncset.done $0x0  }
0x13d: {  	s0 =	simm.s32 @p1 $0x13A00;
	s1 =	simm.s32 @p1 $0x1;
	[sflag:s24] =	ssyncadd.s32 $0xFFFFC000  }
0x13e: {  	[tilespmem:s0], [sflag:$0x1] =	stream.linear.gather @p1 [spmem:s21], $0x800, $0x38;
	[tilespmem:$0x17A00] =	vst v63  }
0x13f: {  	_ =	swait.ge @p1 [sflag:s1], $0x800  }
0x140: {  	[sflag:s1] =	ssyncset.done @p1 $0x0  }
0x141: {  	s8 =	simm.s32 @p1 $0x0;
	s9 =	rddreg [dreg:$0x4];
	[sflag:s1] =	ssyncadd.s32 @p1 $0xFFFFF800  }
0x142: {  	[hbm4b:s9+s8] =	stream.linear.scatter @p1 [tilespmem:s0], [sflag:$0x1], $0x800, $0x38;
	[tilespmem:$0x17A00] =	vst v63  }
0x143: {  	_ =	swait.ge @p1 [sflag:s1], $0x800  }
0x144: {  	[sflag:s1] =	ssyncset.done @p1 $0x0  }
0x145: {  	s0 =	simm.s32 @!p1 $0x13A00;
	[sflag:s1] =	ssyncadd.s32 @p1 $0xFFFFF800;
	s1 =	simm.s32 @!p1 $0x2  }
0x146: {  	[tilespmem:s0], [sflag:$0x2] =	stream.linear.gather @!p1 [spmem:s17], $0x4000, $0x38;
	[tilespmem:$0x17A00] =	vst v63  }
0x147: {  	_ =	swait.ge @!p1 [sflag:s1], $0x4000  }
0x148: {  	[sflag:s1] =	ssyncset.done @!p1 $0x0  }
0x149: {  	s8 =	simm.s32 @!p1 $0x0;
	s9 =	rddreg [dreg:$0x16];
	[sflag:s1] =	ssyncadd.s32 @!p1 $0xFFFFC000  }
0x14a: {  	[hbm4b:s9+s8] =	stream.linear.scatter @!p1 [tilespmem:s0], [sflag:$0x1], $0x4000, $0x38;
	[tilespmem:$0x17A00] =	vst v63  }
0x14b: {  	s9 =	simm.s32 @!p1 $0x1  }
0x14c: {  	_ =	swait.ge @!p1 [sflag:s9], $0x4000  }
0x14d: {  	s31 =	sshll.u32 @!p1 s16, $0xE;
	[sflag:s9] =	ssyncset.done @!p1 $0x0  }
0x14e: {  	s31 =	sadd.s32 @!p1 s31, s2;
	[sflag:s9] =	ssyncadd.s32 @!p1 $0xFFFFC000  }
0x14f: {  	[tilespmem:s0], [sflag:$0x2] =	stream.linear.gather @!p1 [spmem:s31], $0x4000, $0x38;
	[tilespmem:$0x17A00] =	vst v63  }
0x150: {  	_ =	swait.ge @!p1 [sflag:s1], $0x4000  }
0x151: {  	s16 =	sshll.u32 @!p1 s16, $0xB;
	[sflag:s1] =	ssyncset.done @!p1 $0x0  }
.Ltmp6:
0x152: {  	[sflag:s1] =	ssyncadd.s32 @!p1 $0xFFFFC000;
	s1 =	sadd.s32 @!p1 s6, s16;
	(pc) =	sbr.rel .LBB2_8-.Ltmp6, $4  }
0x153: {  	[hbm4b:s1+s8] =	stream.linear.scatter @!p1 [tilespmem:s0], [sflag:$0x1], $0x4000, $0x38;
	[tilespmem:$0x17A00] =	vst v63  }
0x154: {  	_ =	swait.ge @!p1 [sflag:s9], $0x4000  }
0x155: {  	[sflag:s9] =	ssyncset.done @!p1 $0x0  }
0x156: {  	[sflag:s9] =	ssyncadd.s32 @!p1 $0xFFFFC000  }
.LBB2_9:
0x157: {  	_ =	sfence.sel $0x180000  }
0x158: {  	[bflag:$0x0] =	sbarrier.arrive $0xFFFF  }
0x159: {  	_ =	strace $0x9000004A  }
0x15a: {  	s0 =	stileid.u32;
	[bflag:$0x2] =	sbarrier.arrive $0xFFFF  }
0x15b: {  	p0 =	sne.s32 s0, $0x0;
	s0 =	rddreg [dreg:$0x2]  }
0x15c: {  	s0 =	sadd.s32 @!p0 $0x100000, s0  }
0x15d: {  	[sflag:s0] =	ssyncadd.tile.s32 @!p0 $0x1;
	_ =	shalt  }
.Lfunc_end2:
_tile_overlayer_lowered:
.L_overlay_start_2:
0x15e: {  	(tag) =	ssettag $0x2  }
0x15f: {  	s0 =	rddreg [dreg:$0x0];
	s2 =	stileid.u32  }
0x160: {  	s1 =	rddreg [dreg:$0x1];
	p0 =	sne.s32 s2, $0x0  }
0x161: {  	s3 =	rddreg [dreg:$0x2];
	[bflag:$0x3] =	sbarrier.arrive $0xFFFF;
	s2 =	simm.s32 @!p0 $0x1C01  }
0x162: {  	[timem:s3], [sflag:s2] =	dma.local @!p0 [hbm:s0], s1  }
0x163: {  	s0 =	simm.s32 @!p0 $0x1  }
0x164: {  	_ =	swait.ge @!p0 [sflag:s0], s1  }
0x165: {  	s1 =	ssub.s32 @!p0 $0x0, s1;
	[sflag:s0] =	ssyncset.done @!p0 $0x0  }
0x166: {  	[sflag:s0] =	ssyncadd.s32 @!p0 s1  }
0x167: {  	[bflag:$0x3] =	sbarrier.arrive $0xFFFF  }
0x168: {  	_ =	shalt  }

// kernel: kernel.14.cloned.1.call-start
scs
__scs_entry_jumppad:
0x0: {  	(pc) =	sbr.rel $0x88, $3  }
0x1: {  	(tag) =	ssettag $0x0;
	lr =	simm.s32 $0x1  }
0x2: {  	[smem:$0x3F98] =	sst lr;
	_ =	strace $0xD0000000  }
0x3: {  	_ = 	snop  }
0x4: {  	_ = 	snop  }
0x5: {  	_ = 	snop  }
0x6: {  	_ = 	snop  }
0x7: {  	_ = 	snop  }
__scs_overlays_trampoline_lowered:
0x8: {  	[smem:$0x3FA7] =	sst s0  }
0x9: {  	[smem:$0x3FA8] =	sst s1  }
0xa: {  	[smem:$0x3FA9] =	sst s2  }
0xb: {  	[smem:$0x3FAA] =	sst s3  }
0xc: {  	[smem:$0x3FAB] =	sst s4  }
0xd: {  	[smem:$0x3FAC] =	sst s5  }
0xe: {  	[smem:$0x3FAD] =	sst s6  }
0xf: {  	[smem:$0x3FAE] =	sst s7  }
0x10: {  	[smem:$0x3FAF] =	sst s8  }
0x11: {  	[smem:$0x3FB0] =	sst s9;
	s0 =	simm.s32 @!p0 $0x0  }
0x12: {  	s1 =	sld [smem:$0x3F96];
	s0 =	simm.s32 @p0 $0x1  }
0x13: {  	[smem:$0x3FB1] =	sst s0;
	s0 =	simm.s32 @!p1 $0x0  }
0x14: {  	s2 =	sld [smem:$0x3F95];
	s0 =	simm.s32 @p1 $0x1  }
0x15: {  	[smem:$0x3FB2] =	sst s0;
	s0 =	simm.s32 @!p2 $0x0  }
0x16: {  	s3 =	sld [smem:$0x3FDB];
	s0 =	simm.s32 @p2 $0x1  }
0x17: {  	s4 =	simm.s32 $0x1BF5;
	[smem:$0x3FB4] =	sst s0  }
0x18: {  	s0 =	sld [smem:$0x3F97];
	_ =	swait.ge [sflag:s4], $0x0  }
0x19: {  	s7 =	sld [smem:$0x3F98]  }
0x1a: {  	s8 =	sadd.s32 $0xFFFFE003, lr  }
0x1b: {  	s9 =	sadd.s32 $0xFFFFFEF7, lr;
	s5 =	simm.s32 $0xFFFFFFFF;
	p2 =	slt.u32 s8, $0xFFFFF086  }
0x1c: {  	p1 =	slt.u32 s9, $0xF7A;
	s5 =	simm.s32 @!p2 $0x0  }
0x1d: {  	s5 =	simm.s32 @p1 $0x1;
	p0 =	seq.s32 s7, s2  }
0x1e: {  	s7 =	smul.u32 @!p0 $0xF7A, s2;
	p2 =	seq.s32 @!p0 s5, $0x0  }
0x1f: {  	s9 =	smul.u32 $0xF7A, s1;
	s8 =	simm.s32 @!p0 $0x1BF5;
	p2 =	por !p2, p0  }
0x20: {  	[sflag:s8] =	ssyncset.s32 @!p0 $0xFFFFF086;
	s6 =	sadd.s32 @!p0 s3, s7;
	s7 =	simm.s32 @!p0 $0x108  }
0x21: {  	s3 =	sadd.s32 s3, s9;
	s6 =	sadd.s32 @!p0 $0x88, s6;
	s7 =	simm.s32 @p2 $0x1082  }
0x22: {  	[simem:s7], [sflag:s8] =	dma.local @!p0 [hbm:s6], $0xF7A  }
0x23: {  	s9 =	sor.u32 $0xD0000000, s2;
	s6 =	simm.s32 $0x108;
	_ =	swait.ge @!p0 [sflag:s8], $0x0  }
0x24: {  	s3 =	sadd.s32 $0x88, s3;
	s6 =	simm.s32 @!p1 $0x1082;
	[sflag:s4] =	ssyncset.s32 $0xFFFFF086  }
0x25: {  	[simem:s6], [sflag:s4] =	dma.local [hbm:s3], $0xF7A  }
0x26: {  	[smem:$0x3F98] =	sst s1;
	(tag) =	ssettag s2;
	_ =	strace s9  }
0x27: {  	s1 =	sld [smem:$0x3FA8]  }
0x28: {  	s2 =	sld [smem:$0x3FA9]  }
0x29: {  	s4 =	sld [smem:$0x3FAB]  }
0x2a: {  	p0 =	seq.s32 s5, $0x0;
	s5 =	sld [smem:$0x3FAC]  }
0x2b: {  	s6 =	sld [smem:$0x3FAD]  }
0x2c: {  	s7 =	sld [smem:$0x3FAE]  }
0x2d: {  	s3 =	simm.s32 $0x108;
	s8 =	sld [smem:$0x3FAF]  }
0x2e: {  	s3 =	simm.s32 @!p0 $0x1082;
	s9 =	sld [smem:$0x3FB0]  }
0x2f: {  	lr =	sadd.s32 s0, s3;
	s0 =	sld [smem:$0x3FA7]  }
0x30: {  	s3 =	sld [smem:$0x3FAA]  }
0x31: {  	[smem:$0x3FB3] =	sst s10  }
0x32: {  	s10 =	sld [smem:$0x3FB1];
	_ =	sdelay $0x3  }
0x33: {  	p0 =	seq.s32 s10, $0x1;
	s10 =	sld [smem:$0x3FB3];
	_ =	sdelay $0x3  }
0x34: {  	[smem:$0x3FB3] =	sst s10  }
0x35: {  	s10 =	sld [smem:$0x3FB2];
	_ =	sdelay $0x3  }
0x36: {  	p1 =	seq.s32 s10, $0x1;
	s10 =	sld [smem:$0x3FB3];
	_ =	sdelay $0x3  }
0x37: {  	[smem:$0x3FB3] =	sst s10  }
0x38: {  	s10 =	sld [smem:$0x3FB4]  }
0x39: {  	_ = 	snop;
	(pc) =	sbr.ind lr, $3  }
0x3a: {  	_ = 	snop  }
0x3b: {  	_ = 	snop  }
0x3c: {  	p2 =	seq.s32 s10, $0x1;
	s10 =	sld [smem:$0x3FB3]  }
0x3d: {  	_ =	shalt  }
0x3e: {  	_ =	shalt  }
0x3f: {  	_ =	shalt  }
0x40: {  	_ =	shalt  }
0x41: {  	_ =	shalt  }
0x42: {  	_ =	shalt  }
0x43: {  	_ =	shalt  }
0x44: {  	_ =	shalt  }
0x45: {  	_ =	shalt  }
0x46: {  	_ =	shalt  }
0x47: {  	_ =	shalt  }
0x48: {  	_ =	shalt  }
0x49: {  	_ =	shalt  }
0x4a: {  	_ =	shalt  }
0x4b: {  	_ =	shalt  }
0x4c: {  	_ =	shalt  }
0x4d: {  	_ =	shalt  }
0x4e: {  	_ =	shalt  }
0x4f: {  	_ =	shalt  }
0x50: {  	_ =	shalt  }
0x51: {  	_ =	shalt  }
0x52: {  	_ =	shalt  }
0x53: {  	_ =	shalt  }
0x54: {  	_ =	shalt  }
0x55: {  	_ =	shalt  }
0x56: {  	_ =	shalt  }
0x57: {  	_ =	shalt  }
0x58: {  	_ =	shalt  }
0x59: {  	_ =	shalt  }
0x5a: {  	_ =	shalt  }
0x5b: {  	_ =	shalt  }
0x5c: {  	_ =	shalt  }
0x5d: {  	_ =	shalt  }
0x5e: {  	_ =	shalt  }
0x5f: {  	_ =	shalt  }
0x60: {  	_ =	shalt  }
0x61: {  	_ =	shalt  }
0x62: {  	_ =	shalt  }
0x63: {  	_ =	shalt  }
0x64: {  	_ =	shalt  }
0x65: {  	_ =	shalt  }
0x66: {  	_ =	shalt  }
0x67: {  	_ =	shalt  }
0x68: {  	_ =	shalt  }
0x69: {  	_ =	shalt  }
0x6a: {  	_ =	shalt  }
0x6b: {  	_ =	shalt  }
0x6c: {  	_ =	shalt  }
0x6d: {  	_ =	shalt  }
0x6e: {  	_ =	shalt  }
0x6f: {  	_ =	shalt  }
0x70: {  	_ =	shalt  }
0x71: {  	_ =	shalt  }
0x72: {  	_ =	shalt  }
0x73: {  	_ =	shalt  }
0x74: {  	_ =	shalt  }
0x75: {  	_ =	shalt  }
0x76: {  	_ =	shalt  }
0x77: {  	_ =	shalt  }
0x78: {  	_ =	shalt  }
0x79: {  	_ =	shalt  }
0x7a: {  	_ =	shalt  }
0x7b: {  	_ =	shalt  }
0x7c: {  	_ =	shalt  }
0x7d: {  	_ =	shalt  }
0x7e: {  	_ =	shalt  }
0x7f: {  	_ =	shalt  }
0x80: {  	_ =	shalt  }
0x81: {  	_ =	shalt  }
0x82: {  	_ =	shalt  }
0x83: {  	_ =	shalt  }
0x84: {  	_ =	shalt  }
0x85: {  	_ =	shalt  }
0x86: {  	_ =	shalt  }
0x87: {  	_ =	shalt  }
.Lfunc_end0:
.L_simem_size_0:
called_computation.2_lowered:
.L_overlay_start_0:
0x88: {  	s2 =	sld [smem:$0x3FD9]  }
0x89: {  	s3 =	sld [smem:$0x3FFE];
	_ =	sdelay $0x1  }
0x8a: {  	s1 =	srdreg.scid  }
0x8b: {  	s0 =	sand.u32 $0x1, s1  }
0x8c: {  	s16 =	sshll.u32 s0, $0xA;
	s2 =	sadd.s32 s3, s2  }
0x8d: {  	s2 =	sadd.s32 s2, s16  }
0x8e: {  	[smem:$0x3FBF] =	sst s2  }
0x8f: {  	_ = 	snop  }
0x90: {  	(tm) =	ssettm $0x1  }
0x91: {  	s17 =	sld [smem:$0x3FFB];
	_ =	sdelay $0x3  }
0x92: {  	_ =	strace s17  }
0x93: {  	s2 =	sld [smem:$0x3FFC];
	_ =	sdelay $0x3  }
0x94: {  	_ =	strace s2  }
0x95: {  	s2 =	sld [smem:$0x3FFD];
	_ =	sdelay $0x3  }
0x96: {  	_ =	strace s2  }
0x97: {  	_ =	strace $0x8FFFFFFF  }
0x98: {  	s18 =	sld [smem:$0x3FDB];
	_ =	sdelay $0x1  }
0x99: {  	s19 =	simm.s32 $_scs_section_size  }
0x9a: {  	s4 =	simm.s32 $_size__tile_overlayer_lowered;
	s5 =	simm.s32 $_tile_overlayer_lowered  }
0x9b: {  	s22 =	simm.s32 $0x1BFF;
	s21 =	sshll.u32 s5, $0x1;
	s2 =	sadd.s32 s19, s18  }
0x9c: {  	s6 =	simm.s32 $0x0;
	s20 =	sshll.u32 s4, $0x1;
	s4 =	sadd.s32 s21, s2  }
0x9d: {  	[timem:s6], [sflag:s22] =	dma.local [hbm:s4], s20  }
0x9e: {  	_ =	swait.ge [sflag:s22], s20  }
0x9f: {  	s3 =	ssub.s32 $0x0, s20;
	[sflag:s22] =	ssyncset.done $0x0  }
0xa0: {  	[sflag:s22] =	ssyncadd.s32 s3;
	_ =	sdelay $0x1  }
0xa1: {  	s23 =	simm.s32 $0x1B8B  }
0xa2: {  	_ =	swait.ge [sflag:s23], $0x1  }
0xa3: {  	[sflag:s23] =	ssyncset.done $0x0  }
0xa4: {  	s25 =	simm.s32 $0x1B8E;
	s24 =	sld [smem:$0x3FFE];
	[sflag:s23] =	ssyncadd.s32 $0xFFFFFFFF  }
0xa5: {  	s26 =	simm.s32 $execute0_lowered;
	[smem:$0x3FD2] =	sst s25  }
0xa6: {  	s4 =	sshll.u32 s26, $0x1;
	_ =	strace $0x8000004C;
	[dreg:$0x1] =	wrdreg $0xFFFFFFFF  }
0xa7: {  	s28 =	simm.s32 $_size_execute0_lowered;
	s2 =	sadd.s32 s2, s4;
	[dreg:$0x0] =	wrdreg $0x0  }
0xa8: {  	s4 =	sshll.u32 s28, $0x1;
	[dreg:$0x2] =	wrdreg s2  }
0xa9: {  	[dreg:$0x3] =	wrdreg s4  }
0xaa: {  	[dreg:$0x4] =	wrdreg $0xC0  }
0xab: {  	_ =	task [dreg:s6], $0x5FFFF  }
0xac: {  	[dreg:$0x1] =	wrdreg $0xFFFFFFFF  }
0xad: {  	[dreg:$0x0] =	wrdreg $0x60  }
0xae: {  	[dreg:$0x2] =	wrdreg s24  }
0xaf: {  	[dreg:$0x3] =	wrdreg $0x0  }
0xb0: {  	[dreg:$0x4] =	wrdreg $0x9  }
0xb1: {  	_ =	task.clear_ibuf [dreg:s6], $0x5FFFF;
	_ =	strace $0x9000004C  }
0xb2: {  	s29 =	simm.s32 $0x9;
	_ =	strace $0x8000004E  }
0xb3: {  	_ =	swait.ge [sflag:s29], $0x1  }
0xb4: {  	[sflag:s29] =	ssyncadd.s32 $0xFFFFFFFF  }
0xb5: {  	_ =	strace $0x9000004E  }
0xb6: {  	_ =	sfence  }
0xb7: {  	s30 =	sld [smem:$0x0];
	_ =	sdelay $0x2  }
0xb8: {  	s31 =	sshll.u32 s1, $0xD;
	s1 =	sshrl.u32 s1, $0x2  }
0xb9: {  	s3 =	sand.u32 $0x4000, s31;
	s1 =	sadd.s32 s1, s30  }
0xba: {  	s0 =	sor.u32 s3, s0;
	s1 =	sshll.u32 s1, $0x11  }
0xbb: {  	s0 =	sor.u32 s1, s0  }
0xbc: {  	s0 =	sadd.s32 $0x8F2B, s0  }
0xbd: {  	[sflag:s0] =	ssyncadd.remote.s32 $0x1  }
0xbe: {  	_ =	sfence.sel $0xFFFF  }
0xbf: {  	[dreg:$0x0] =	wrdreg $0xFFFFFFFF;
	(pc) =	sbr.abs _section_cstart, $3  }
0xc0: {  	[dreg:$0x1] =	wrdreg $0xFFFFFFFF  }
0xc1: {  	_ =	task.clear_ibuf [dreg:s6], $0x2FFFF;
	_ =	strace $0x9FFFFFFF  }
0xc2: {  	(tm) =	ssettm $0x7FFFFFFF  }
0xc3: {  	_ =	shalt  }
tec
execute0_lowered:
.L_overlay_start_1:
0x0: {  	(tag) =	ssettag $0x1  }
0x1: {  	s0 =	srdreg.scid;
	s8 =	rddreg [dreg:$0x0]  }
0x2: {  	s2 =	rddreg [dreg:$0x1];
	s3 =	simm.s32 $0x0;
	s12 =	simm.s32 $0x34400  }
0x3: {  	s13 =	simm.s32 $0x500;
	s14 =	simm.s32 $0x1900;
	s15 =	simm.s32 $0x80  }
0x4: {  	s16 =	simm.s32 $0x0;
	s6 =	sand.u32 $0x1, s0;
	s0 =	stileid.u32  }
0x5: {  	[smem:$0x7FF] =	sst s3;
	s1 =	sshll.u32 s6, $0x4;
	s7 =	ssub.s32 $0x2, s6  }
0x6: {  	s10 =	smul.u32 $0x280, s0;
	p0 =	seq.s32 s6, $0x1;
	s4 =	sor.u32 s0, s1  }
0x7: {  	s1 =	rddreg [dreg:$0x2];
	_ =	strace $0x8000004D;
	s11 =	sshrl.u32 s7, $0x1  }
0x8: {  	s12 =	simm.s32 @!p0 $0x7C00;
	s5 =	smul.u32 $0x280, s4;
	s4 =	sadd.s32 $0x7600, s8  }
0x9: {  	s6 =	sadd.s32 s10, s2;
	s10 =	sshrl.u32 s10, $0x3;
	s12 =	sadd.s32 s12, s8  }
0xa: {  	s11 =	ssub.s32 s7, s11;
	s10 =	sadd.s32 s12, s10;
	s9 =	sadd.s32 s5, s8  }
0xb: {  	s12 =	simm.s32 $0x1;
	s5 =	sadd.s32 $0x7400, s8;
	s7 =	sadd.s32 $0x8200, s9  }
0xc: {  	s8 =	sadd.s32 $0x2400, s9;
	s9 =	smax.u32 s11, $0x1;
	s11 =	simm.s32 $0x280  }
.LBB2_1:
0xd: {  	[tilespmem:s11], [sflag:$0x1] =	stream.linear.gather [hbm4b:s5+s3], $0x280, $0x38;
	[tilespmem:$0x4100] =	vst v63  }
0xe: {  	_ =	swait.ge [sflag:s12], $0x280  }
0xf: {  	[sflag:s12] =	ssyncset.done $0x0  }
0x10: {  	[sflag:s12] =	ssyncadd.s32 $0xFFFFFD80  }
0x11: {  	[spmem:s6] =	stream.linear.scatter [tilespmem:s11], [sflag:$0x1], $0x280, $0x38;
	[tilespmem:$0x4100] =	vst v63  }
0x12: {  	_ =	swait.ge [sflag:s12], $0x280  }
0x13: {  	[sflag:s12] =	ssyncset.done $0x0  }
0x14: {  	[sflag:s12] =	ssyncadd.s32 $0xFFFFFD80  }
0x15: {  	[tilespmem:s13], [sflag:$0x1] =	stream.linear.gather [hbm4b:s7+s3], $0x1400, $0x38;
	[tilespmem:$0x4100] =	vst v63  }
0x16: {  	_ =	swait.ge [sflag:s12], $0x1400  }
0x17: {  	[sflag:s12] =	ssyncset.done $0x0  }
0x18: {  	[sflag:s12] =	ssyncadd.s32 $0xFFFFEC00  }
0x19: {  	[tilespmem:s14], [sflag:$0x1] =	stream.linear.gather [hbm4b:s8+s3], $0x1400, $0x38;
	[tilespmem:$0x4100] =	vst v63  }
0x1a: {  	_ =	swait.ge [sflag:s12], $0x1400  }
0x1b: {  	[sflag:s12] =	ssyncset.done $0x0  }
0x1c: {  	[sflag:s12] =	ssyncadd.s32 $0xFFFFEC00  }
0x1d: {  	s17 =	simm.s32 $0x2D00;
	s18 =	simm.s32 $0x500;
	[bflag:$0x0] =	sbarrier.arrive $0xFFFF  }
0x1e: {  	[tilespmem:s17], [sflag:$0x1] =	stream.indirect.gather [hbm4b:s4+s15], $0x1, s18, s15, $0xb8;
	[tilespmem:$0x4100] =	vst v63  }
0x1f: {  	_ =	swait.ge [sflag:s12], $0x80  }
0x20: {  	[sflag:s12] =	ssyncset.done $0x0  }
0x21: {  	s31 =	simm.s32 $0x1900;
	[sflag:s12] =	ssyncadd.s32 $0xFFFFFF80  }
0x22: {  	[spmem:s2] =	stream.indirect.scatter.add.f32 [tilespmem:s17], [sflag:$0x1], $0x1, s31, s15, $0xb8;
	[tilespmem:$0x4100] =	vst v63  }
0x23: {  	_ =	swait.ge [sflag:s12], $0x80  }
0x24: {  	s18 =	simm.s32 $0x400;
	s17 =	simm.s32 $0x80;
	[sflag:s12] =	ssyncset.done $0x0  }
.LBB2_2:
0x25: {  	s19 =	sadd.s32 $0x2D00, s17  }
0x26: {  	s20 =	sadd.s32 $0x500, s17;
	[sflag:s12] =	ssyncadd.s32 $0xFFFFFF80;
	s21 =	smov.u32 s18  }
0x27: {  	[tilespmem:s19], [sflag:$0x1] =	stream.indirect.gather [hbm4b:s4+s15], $0x1, s20, s15, $0xb8;
	[tilespmem:$0x4100] =	vst v63  }
0x28: {  	p0 =	sne.s32 s18, $0x4E00;
	s18 =	sadd.s32 $0x200, s18;
	_ =	swait.ge [sflag:s12], $0x80  }
.Ltmp0:
0x29: {  	[sflag:s12] =	ssyncset.done $0x0;
	(pc) =	sbr.rel @p0 .LBB2_2-.Ltmp0, $4  }
0x2a: {  	s17 =	sadd.s32 $0x1900, s17;
	[sflag:s12] =	ssyncadd.s32 $0xFFFFFF80  }
0x2b: {  	[spmem:s2] =	stream.indirect.scatter.add.f32 [tilespmem:s19], [sflag:$0x1], $0x1, s17, s15, $0xb8;
	[tilespmem:$0x4100] =	vst v63  }
0x2c: {  	_ =	swait.ge [sflag:s12], $0x80  }
0x2d: {  	s17 =	sshra.s32 s21, $0x2;
	[sflag:s12] =	ssyncset.done $0x0  }
0x2e: {  	s18 =	sadd.s32 $0x2D00, s17;
	s19 =	sadd.s32 $0x500, s17;
	[sflag:s12] =	ssyncadd.s32 $0xFFFFFF80  }
0x2f: {  	[tilespmem:s18], [sflag:$0x1] =	stream.indirect.gather [hbm4b:s4+s15], $0x1, s19, s15, $0xb8;
	[tilespmem:$0x4100] =	vst v63  }
0x30: {  	_ =	swait.ge [sflag:s12], $0x80  }
0x31: {  	[sflag:s12] =	ssyncset.done $0x0  }
0x32: {  	s31 =	sadd.s32 $0x1900, s17;
	[sflag:s12] =	ssyncadd.s32 $0xFFFFFF80  }
0x33: {  	[spmem:s2] =	stream.indirect.scatter.add.f32 [tilespmem:s18], [sflag:$0x1], $0x1, s31, s15, $0xb8;
	[tilespmem:$0x4100] =	vst v63  }
0x34: {  	_ =	swait.ge [sflag:s12], $0x80  }
0x35: {  	[sflag:s12] =	ssyncset.done $0x0  }
0x36: {  	[sflag:s12] =	ssyncadd.s32 $0xFFFFFF80  }
0x37: {  	[bflag:$0x0] =	sbarrier.arrive $0xFFFF  }
0x38: {  	[tilespmem:s11], [sflag:$0x1] =	stream.linear.gather [spmem:s6], $0x280, $0x38;
	[tilespmem:$0x4100] =	vst v63  }
0x39: {  	s16 =	sadd.s32 $0x1, s16;
	_ =	swait.ge [sflag:s12], $0x280  }
0x3a: {  	p0 =	sne.s32 s16, s9;
	[sflag:s12] =	ssyncset.done $0x0  }
.Ltmp1:
0x3b: {  	[sflag:s12] =	ssyncadd.s32 $0xFFFFFD80;
	(pc) =	sbr.rel @p0 .LBB2_1-.Ltmp1, $4  }
0x3c: {  	[hbm4b:s10+s3] =	stream.linear.scatter [tilespmem:s11], [sflag:$0x1], $0x280, $0x38;
	[tilespmem:$0x4100] =	vst v63  }
0x3d: {  	_ =	swait.ge [sflag:s12], $0x280  }
0x3e: {  	[sflag:s12] =	ssyncset.done $0x0  }
0x3f: {  	[sflag:s12] =	ssyncadd.s32 $0xFFFFFD80  }
0x40: {  	_ =	sfence.sel $0x180000  }
0x41: {  	[bflag:$0x0] =	sbarrier.arrive $0xFFFF  }
0x42: {  	p0 =	sne.s32 s0, $0x0;
	_ =	strace $0x9000004D  }
0x43: {  	s0 =	sadd.s32 @!p0 $0x100000, s1;
	[bflag:$0x2] =	sbarrier.arrive $0xFFFF  }
0x44: {  	[sflag:s0] =	ssyncadd.tile.s32 @!p0 $0x1;
	_ =	shalt  }
.Lfunc_end2:
_tile_overlayer_lowered:
.L_overlay_start_2:
0x45: {  	(tag) =	ssettag $0x2  }
0x46: {  	s0 =	rddreg [dreg:$0x0];
	s2 =	stileid.u32  }
0x47: {  	s1 =	rddreg [dreg:$0x1];
	p0 =	sne.s32 s2, $0x0  }
0x48: {  	s3 =	rddreg [dreg:$0x2];
	[bflag:$0x3] =	sbarrier.arrive $0xFFFF;
	s2 =	simm.s32 @!p0 $0x1C01  }
0x49: {  	[timem:s3], [sflag:s2] =	dma.local @!p0 [hbm:s0], s1  }
0x4a: {  	s0 =	simm.s32 @!p0 $0x1  }
0x4b: {  	_ =	swait.ge @!p0 [sflag:s0], s1  }
0x4c: {  	s1 =	ssub.s32 @!p0 $0x0, s1;
	[sflag:s0] =	ssyncset.done @!p0 $0x0  }
0x4d: {  	[sflag:s0] =	ssyncadd.s32 @!p0 s1  }
0x4e: {  	[bflag:$0x3] =	sbarrier.arrive $0xFFFF  }
0x4f: {  	_ =	shalt  }

// kernel: kernel.8.cloned.1.call-start
scs
__scs_entry_jumppad:
0x0: {  	(pc) =	sbr.rel $0x88, $3  }
0x1: {  	(tag) =	ssettag $0x0;
	lr =	simm.s32 $0x1  }
0x2: {  	[smem:$0x3F98] =	sst lr;
	_ =	strace $0xD0000000  }
0x3: {  	_ = 	snop  }
0x4: {  	_ = 	snop  }
0x5: {  	_ = 	snop  }
0x6: {  	_ = 	snop  }
0x7: {  	_ = 	snop  }
__scs_overlays_trampoline_lowered:
0x8: {  	[smem:$0x3FA7] =	sst s0  }
0x9: {  	[smem:$0x3FA8] =	sst s1  }
0xa: {  	[smem:$0x3FA9] =	sst s2  }
0xb: {  	[smem:$0x3FAA] =	sst s3  }
0xc: {  	[smem:$0x3FAB] =	sst s4  }
0xd: {  	[smem:$0x3FAC] =	sst s5  }
0xe: {  	[smem:$0x3FAD] =	sst s6  }
0xf: {  	[smem:$0x3FAE] =	sst s7  }
0x10: {  	[smem:$0x3FAF] =	sst s8  }
0x11: {  	[smem:$0x3FB0] =	sst s9;
	s0 =	simm.s32 @!p0 $0x0  }
0x12: {  	s1 =	sld [smem:$0x3F96];
	s0 =	simm.s32 @p0 $0x1  }
0x13: {  	[smem:$0x3FB1] =	sst s0;
	s0 =	simm.s32 @!p1 $0x0  }
0x14: {  	s2 =	sld [smem:$0x3F95];
	s0 =	simm.s32 @p1 $0x1  }
0x15: {  	[smem:$0x3FB2] =	sst s0;
	s0 =	simm.s32 @!p2 $0x0  }
0x16: {  	s3 =	sld [smem:$0x3FDB];
	s0 =	simm.s32 @p2 $0x1  }
0x17: {  	s4 =	simm.s32 $0x1BF5;
	[smem:$0x3FB4] =	sst s0  }
0x18: {  	s0 =	sld [smem:$0x3F97];
	_ =	swait.ge [sflag:s4], $0x0  }
0x19: {  	s7 =	sld [smem:$0x3F98]  }
0x1a: {  	s8 =	sadd.s32 $0xFFFFE003, lr  }
0x1b: {  	s9 =	sadd.s32 $0xFFFFFEF7, lr;
	s5 =	simm.s32 $0xFFFFFFFF;
	p2 =	slt.u32 s8, $0xFFFFF086  }
0x1c: {  	p1 =	slt.u32 s9, $0xF7A;
	s5 =	simm.s32 @!p2 $0x0  }
0x1d: {  	s5 =	simm.s32 @p1 $0x1;
	p0 =	seq.s32 s7, s2  }
0x1e: {  	s7 =	smul.u32 @!p0 $0xF7A, s2;
	p2 =	seq.s32 @!p0 s5, $0x0  }
0x1f: {  	s9 =	smul.u32 $0xF7A, s1;
	s8 =	simm.s32 @!p0 $0x1BF5;
	p2 =	por !p2, p0  }
0x20: {  	[sflag:s8] =	ssyncset.s32 @!p0 $0xFFFFF086;
	s6 =	sadd.s32 @!p0 s3, s7;
	s7 =	simm.s32 @!p0 $0x108  }
0x21: {  	s3 =	sadd.s32 s3, s9;
	s6 =	sadd.s32 @!p0 $0x88, s6;
	s7 =	simm.s32 @p2 $0x1082  }
0x22: {  	[simem:s7], [sflag:s8] =	dma.local @!p0 [hbm:s6], $0xF7A  }
0x23: {  	s9 =	sor.u32 $0xD0000000, s2;
	s6 =	simm.s32 $0x108;
	_ =	swait.ge @!p0 [sflag:s8], $0x0  }
0x24: {  	s3 =	sadd.s32 $0x88, s3;
	s6 =	simm.s32 @!p1 $0x1082;
	[sflag:s4] =	ssyncset.s32 $0xFFFFF086  }
0x25: {  	[simem:s6], [sflag:s4] =	dma.local [hbm:s3], $0xF7A  }
0x26: {  	[smem:$0x3F98] =	sst s1;
	(tag) =	ssettag s2;
	_ =	strace s9  }
0x27: {  	s1 =	sld [smem:$0x3FA8]  }
0x28: {  	s2 =	sld [smem:$0x3FA9]  }
0x29: {  	s4 =	sld [smem:$0x3FAB]  }
0x2a: {  	p0 =	seq.s32 s5, $0x0;
	s5 =	sld [smem:$0x3FAC]  }
0x2b: {  	s6 =	sld [smem:$0x3FAD]  }
0x2c: {  	s7 =	sld [smem:$0x3FAE]  }
0x2d: {  	s3 =	simm.s32 $0x108;
	s8 =	sld [smem:$0x3FAF]  }
0x2e: {  	s3 =	simm.s32 @!p0 $0x1082;
	s9 =	sld [smem:$0x3FB0]  }
0x2f: {  	lr =	sadd.s32 s0, s3;
	s0 =	sld [smem:$0x3FA7]  }
0x30: {  	s3 =	sld [smem:$0x3FAA]  }
0x31: {  	[smem:$0x3FB3] =	sst s10  }
0x32: {  	s10 =	sld [smem:$0x3FB1];
	_ =	sdelay $0x3  }
0x33: {  	p0 =	seq.s32 s10, $0x1;
	s10 =	sld [smem:$0x3FB3];
	_ =	sdelay $0x3  }
0x34: {  	[smem:$0x3FB3] =	sst s10  }
0x35: {  	s10 =	sld [smem:$0x3FB2];
	_ =	sdelay $0x3  }
0x36: {  	p1 =	seq.s32 s10, $0x1;
	s10 =	sld [smem:$0x3FB3];
	_ =	sdelay $0x3  }
0x37: {  	[smem:$0x3FB3] =	sst s10  }
0x38: {  	s10 =	sld [smem:$0x3FB4]  }
0x39: {  	_ = 	snop;
	(pc) =	sbr.ind lr, $3  }
0x3a: {  	_ = 	snop  }
0x3b: {  	_ = 	snop  }
0x3c: {  	p2 =	seq.s32 s10, $0x1;
	s10 =	sld [smem:$0x3FB3]  }
0x3d: {  	_ =	shalt  }
0x3e: {  	_ =	shalt  }
0x3f: {  	_ =	shalt  }
0x40: {  	_ =	shalt  }
0x41: {  	_ =	shalt  }
0x42: {  	_ =	shalt  }
0x43: {  	_ =	shalt  }
0x44: {  	_ =	shalt  }
0x45: {  	_ =	shalt  }
0x46: {  	_ =	shalt  }
0x47: {  	_ =	shalt  }
0x48: {  	_ =	shalt  }
0x49: {  	_ =	shalt  }
0x4a: {  	_ =	shalt  }
0x4b: {  	_ =	shalt  }
0x4c: {  	_ =	shalt  }
0x4d: {  	_ =	shalt  }
0x4e: {  	_ =	shalt  }
0x4f: {  	_ =	shalt  }
0x50: {  	_ =	shalt  }
0x51: {  	_ =	shalt  }
0x52: {  	_ =	shalt  }
0x53: {  	_ =	shalt  }
0x54: {  	_ =	shalt  }
0x55: {  	_ =	shalt  }
0x56: {  	_ =	shalt  }
0x57: {  	_ =	shalt  }
0x58: {  	_ =	shalt  }
0x59: {  	_ =	shalt  }
0x5a: {  	_ =	shalt  }
0x5b: {  	_ =	shalt  }
0x5c: {  	_ =	shalt  }
0x5d: {  	_ =	shalt  }
0x5e: {  	_ =	shalt  }
0x5f: {  	_ =	shalt  }
0x60: {  	_ =	shalt  }
0x61: {  	_ =	shalt  }
0x62: {  	_ =	shalt  }
0x63: {  	_ =	shalt  }
0x64: {  	_ =	shalt  }
0x65: {  	_ =	shalt  }
0x66: {  	_ =	shalt  }
0x67: {  	_ =	shalt  }
0x68: {  	_ =	shalt  }
0x69: {  	_ =	shalt  }
0x6a: {  	_ =	shalt  }
0x6b: {  	_ =	shalt  }
0x6c: {  	_ =	shalt  }
0x6d: {  	_ =	shalt  }
0x6e: {  	_ =	shalt  }
0x6f: {  	_ =	shalt  }
0x70: {  	_ =	shalt  }
0x71: {  	_ =	shalt  }
0x72: {  	_ =	shalt  }
0x73: {  	_ =	shalt  }
0x74: {  	_ =	shalt  }
0x75: {  	_ =	shalt  }
0x76: {  	_ =	shalt  }
0x77: {  	_ =	shalt  }
0x78: {  	_ =	shalt  }
0x79: {  	_ =	shalt  }
0x7a: {  	_ =	shalt  }
0x7b: {  	_ =	shalt  }
0x7c: {  	_ =	shalt  }
0x7d: {  	_ =	shalt  }
0x7e: {  	_ =	shalt  }
0x7f: {  	_ =	shalt  }
0x80: {  	_ =	shalt  }
0x81: {  	_ =	shalt  }
0x82: {  	_ =	shalt  }
0x83: {  	_ =	shalt  }
0x84: {  	_ =	shalt  }
0x85: {  	_ =	shalt  }
0x86: {  	_ =	shalt  }
0x87: {  	_ =	shalt  }
.Lfunc_end0:
.L_simem_size_0:
called_computation_lowered:
.L_overlay_start_0:
0x88: {  	s2 =	sld [smem:$0x3FD9]  }
0x89: {  	s3 =	sld [smem:$0x3FFE];
	_ =	sdelay $0x1  }
0x8a: {  	s1 =	srdreg.scid  }
0x8b: {  	s0 =	sand.u32 $0x1, s1  }
0x8c: {  	s17 =	sshll.u32 s0, $0xA;
	s2 =	sadd.s32 s3, s2  }
0x8d: {  	s2 =	sadd.s32 s2, s17  }
0x8e: {  	[smem:$0x3FBF] =	sst s2  }
0x8f: {  	_ = 	snop  }
0x90: {  	s2 =	sld [smem:$0x3FD0];
	(tm) =	ssettm $0x1  }
0x91: {  	s18 =	sld [smem:$0x3FFB];
	_ =	sdelay $0x3  }
0x92: {  	_ =	strace s18  }
0x93: {  	s3 =	sld [smem:$0x3FFC];
	_ =	sdelay $0x3  }
0x94: {  	_ =	strace s3  }
0x95: {  	s3 =	sld [smem:$0x3FFD];
	_ =	sdelay $0x3  }
0x96: {  	_ =	strace s3  }
0x97: {  	_ =	strace $0x8FFFFFFF  }
0x98: {  	s19 =	sld [smem:$0x3FDB];
	_ =	sdelay $0x1  }
0x99: {  	s4 =	simm.s32 $_scs_section_size  }
0x9a: {  	s5 =	simm.s32 $_size__tile_overlayer_lowered;
	s6 =	simm.s32 $_tile_overlayer_lowered  }
0x9b: {  	s22 =	simm.s32 $0x1BFF;
	s21 =	sshll.u32 s6, $0x1;
	s3 =	sadd.s32 s4, s19  }
0x9c: {  	s7 =	simm.s32 $0x0;
	s20 =	sshll.u32 s5, $0x1;
	s5 =	sadd.s32 s21, s3  }
0x9d: {  	[timem:s7], [sflag:s22] =	dma.local [hbm:s5], s20  }
0x9e: {  	_ =	swait.ge [sflag:s22], s20  }
0x9f: {  	s4 =	ssub.s32 $0x0, s20;
	[sflag:s22] =	ssyncset.done $0x0  }
0xa0: {  	[sflag:s22] =	ssyncadd.s32 s4;
	_ =	sdelay $0x1  }
0xa1: {  	s23 =	simm.s32 $0x1B8B  }
0xa2: {  	_ =	swait.ge [sflag:s23], $0x1  }
0xa3: {  	[sflag:s23] =	ssyncset.done $0x0  }
0xa4: {  	s25 =	simm.s32 $0x1B8E;
	s24 =	sld [smem:$0x3FFE];
	[sflag:s23] =	ssyncadd.s32 $0xFFFFFFFF  }
0xa5: {  	s26 =	simm.s32 $execute0_lowered;
	[smem:$0x3FD2] =	sst s25  }
0xa6: {  	s5 =	sshll.u32 s26, $0x1;
	_ =	strace $0x80000046;
	[dreg:$0x1] =	wrdreg $0xFFFFFFFF  }
0xa7: {  	s28 =	simm.s32 $_size_execute0_lowered;
	s3 =	sadd.s32 s3, s5;
	[dreg:$0x0] =	wrdreg $0x0  }
0xa8: {  	s5 =	sshll.u32 s28, $0x1;
	[dreg:$0x2] =	wrdreg s3  }
0xa9: {  	[dreg:$0x3] =	wrdreg s5  }
0xaa: {  	[dreg:$0x4] =	wrdreg $0xC0  }
0xab: {  	_ =	task [dreg:s7], $0x5FFFF  }
0xac: {  	[dreg:$0x1] =	wrdreg $0xFFFFFFFF  }
0xad: {  	[dreg:$0x0] =	wrdreg $0x60  }
0xae: {  	[dreg:$0x2] =	wrdreg s24  }
0xaf: {  	[dreg:$0x3] =	wrdreg s2  }
0xb0: {  	[dreg:$0x4] =	wrdreg $0x0  }
0xb1: {  	[dreg:$0x5] =	wrdreg $0x9  }
0xb2: {  	_ =	task.clear_ibuf [dreg:s7], $0x6FFFF;
	_ =	strace $0x90000046  }
0xb3: {  	s29 =	simm.s32 $0x9;
	_ =	strace $0x80000048  }
0xb4: {  	_ =	swait.ge [sflag:s29], $0x1  }
0xb5: {  	[sflag:s29] =	ssyncadd.s32 $0xFFFFFFFF  }
0xb6: {  	_ =	strace $0x90000048  }
0xb7: {  	_ =	sfence  }
0xb8: {  	s30 =	sld [smem:$0x0];
	_ =	sdelay $0x2  }
0xb9: {  	s31 =	sshll.u32 s1, $0xD;
	s1 =	sshrl.u32 s1, $0x2  }
0xba: {  	s3 =	sand.u32 $0x4000, s31;
	s1 =	sadd.s32 s1, s30  }
0xbb: {  	s0 =	sor.u32 s3, s0;
	s1 =	sshll.u32 s1, $0x11  }
0xbc: {  	s0 =	sor.u32 s1, s0  }
0xbd: {  	s0 =	sadd.s32 $0x8F2B, s0  }
0xbe: {  	[sflag:s0] =	ssyncadd.remote.s32 $0x1  }
0xbf: {  	_ =	sfence.sel $0xFFFF  }
0xc0: {  	[dreg:$0x0] =	wrdreg $0xFFFFFFFF;
	(pc) =	sbr.abs _section_cstart, $3  }
0xc1: {  	[dreg:$0x1] =	wrdreg $0xFFFFFFFF  }
0xc2: {  	_ =	task.clear_ibuf [dreg:s7], $0x2FFFF;
	_ =	strace $0x9FFFFFFF  }
0xc3: {  	(tm) =	ssettm $0x7FFFFFFF  }
tec
execute0_lowered:
.L_overlay_start_1:
0x0: {  	(tag) =	ssettag $0x1  }
0x1: {  	s7 =	rddreg [dreg:$0x0]  }
0x2: {  	s2 =	rddreg [dreg:$0x1]  }
0x3: {  	s0 =	srdreg.scid;
	s3 =	rddreg [dreg:$0x2]  }
0x4: {  	s4 =	simm.s32 $0x0;
	s11 =	simm.s32 $0x7C00;
	s12 =	simm.s32 $0x1900  }
0x5: {  	s13 =	simm.s32 $0x500;
	s14 =	simm.s32 $0x80;
	s15 =	simm.s32 $0x0  }
0x6: {  	s5 =	sand.u32 $0x1, s0;
	s0 =	stileid.u32;
	[smem:$0x7FF] =	sst s4  }
0x7: {  	s1 =	sshll.u32 s5, $0x4;
	s8 =	ssub.s32 $0x2, s5;
	s10 =	smul.u32 $0x280, s0  }
0x8: {  	p0 =	seq.s32 s5, $0x1;
	s5 =	sadd.s32 $0x7400, s7;
	s6 =	sor.u32 s0, s1  }
0x9: {  	s1 =	rddreg [dreg:$0x3];
	s31 =	sshrl.u32 s8, $0x1;
	s6 =	smul.u32 $0x280, s6  }
0xa: {  	_ =	strace $0x80000047;
	s11 =	simm.s32 @!p0 $0x7600;
	s8 =	ssub.s32 s8, s31  }
0xb: {  	s11 =	sadd.s32 s11, s7;
	s8 =	smax.u32 s8, $0x1;
	s9 =	sadd.s32 s6, s7  }
0xc: {  	s6 =	sadd.s32 s10, s3;
	s10 =	sshrl.u32 s10, $0x3;
	s7 =	sadd.s32 $0x2400, s9  }
0xd: {  	s9 =	sadd.s32 s11, s10;
	s10 =	simm.s32 $0x280;
	s11 =	simm.s32 $0x1  }
.LBB2_1:
0xe: {  	[tilespmem:s10], [sflag:$0x1] =	stream.linear.gather [hbm4b:s5+s4], $0x280, $0x38;
	[tilespmem:$0x1980] =	vst v63  }
0xf: {  	_ =	swait.ge [sflag:s11], $0x280  }
0x10: {  	[sflag:s11] =	ssyncset.done $0x0  }
0x11: {  	[sflag:s11] =	ssyncadd.s32 $0xFFFFFD80  }
0x12: {  	[spmem:s6] =	stream.linear.scatter [tilespmem:s10], [sflag:$0x1], $0x280, $0x38;
	[tilespmem:$0x1980] =	vst v63  }
0x13: {  	_ =	swait.ge [sflag:s11], $0x280  }
0x14: {  	[sflag:s11] =	ssyncset.done $0x0  }
0x15: {  	[sflag:s11] =	ssyncadd.s32 $0xFFFFFD80  }
0x16: {  	[tilespmem:s12], [sflag:$0x1] =	stream.linear.gather [hbm4b:s2+s4], $0x80, $0x38;
	[tilespmem:$0x1980] =	vst v63  }
0x17: {  	_ =	swait.ge [sflag:s11], $0x80  }
0x18: {  	[sflag:s11] =	ssyncset.done $0x0  }
0x19: {  	[sflag:s11] =	ssyncadd.s32 $0xFFFFFF80  }
0x1a: {  	[tilespmem:s13], [sflag:$0x1] =	stream.linear.gather [hbm4b:s7+s4], $0x1400, $0x38;
	[tilespmem:$0x1980] =	vst v63  }
0x1b: {  	_ =	swait.ge [sflag:s11], $0x1400  }
0x1c: {  	[sflag:s11] =	ssyncset.done $0x0  }
0x1d: {  	[sflag:s11] =	ssyncadd.s32 $0xFFFFEC00  }
0x1e: {  	s16 =	simm.s32 $0x500;
	[bflag:$0x0] =	sbarrier.arrive $0xFFFF  }
0x1f: {  	[spmem:s3] =	stream.indirect.scatter.add.f32 [tilespmem:s12], [sflag:$0x1], $0x1, s16, s14, $0xb8;
	[tilespmem:$0x1980] =	vst v63  }
0x20: {  	s16 =	simm.s32 $0x200;
	_ =	swait.ge [sflag:s11], $0x80  }
.LBB2_2:
0x21: {  	s17 =	sshra.s32 s16, $0x2;
	[sflag:s11] =	ssyncset.done $0x0;
	p0 =	sne.s32 s16, $0x4E00  }
.Ltmp0:
0x22: {  	s17 =	sadd.s32 $0x500, s17;
	[sflag:s11] =	ssyncadd.s32 $0xFFFFFF80;
	(pc) =	sbr.rel @p0 .LBB2_2-.Ltmp0, $3  }
0x23: {  	[spmem:s3] =	stream.indirect.scatter.add.f32 [tilespmem:s12], [sflag:$0x1], $0x1, s17, s14, $0xb8;
	[tilespmem:$0x1980] =	vst v63  }
0x24: {  	s16 =	sadd.s32 $0x200, s16;
	_ =	sdelay $0x1  }
0x25: {  	_ =	swait.ge [sflag:s11], $0x80  }
0x26: {  	[sflag:s11] =	ssyncset.done $0x0  }
0x27: {  	[sflag:s11] =	ssyncadd.s32 $0xFFFFFF80  }
0x28: {  	[bflag:$0x0] =	sbarrier.arrive $0xFFFF  }
0x29: {  	[tilespmem:s10], [sflag:$0x1] =	stream.linear.gather [spmem:s6], $0x280, $0x38;
	[tilespmem:$0x1980] =	vst v63  }
0x2a: {  	s15 =	sadd.s32 $0x1, s15;
	_ =	swait.ge [sflag:s11], $0x280  }
0x2b: {  	p0 =	sne.s32 s15, s8;
	[sflag:s11] =	ssyncset.done $0x0  }
.Ltmp1:
0x2c: {  	[sflag:s11] =	ssyncadd.s32 $0xFFFFFD80;
	(pc) =	sbr.rel @p0 .LBB2_1-.Ltmp1, $4  }
0x2d: {  	[hbm4b:s9+s4] =	stream.linear.scatter [tilespmem:s10], [sflag:$0x1], $0x280, $0x38;
	[tilespmem:$0x1980] =	vst v63  }
0x2e: {  	_ =	swait.ge [sflag:s11], $0x280  }
0x2f: {  	[sflag:s11] =	ssyncset.done $0x0  }
0x30: {  	[sflag:s11] =	ssyncadd.s32 $0xFFFFFD80  }
0x31: {  	_ =	sfence.sel $0x180000  }
0x32: {  	[bflag:$0x0] =	sbarrier.arrive $0xFFFF  }
0x33: {  	p0 =	sne.s32 s0, $0x0;
	_ =	strace $0x90000047  }
0x34: {  	s0 =	sadd.s32 @!p0 $0x100000, s1;
	[bflag:$0x2] =	sbarrier.arrive $0xFFFF  }
0x35: {  	[sflag:s0] =	ssyncadd.tile.s32 @!p0 $0x1;
	_ =	shalt  }
.Lfunc_end2:
_tile_overlayer_lowered:
.L_overlay_start_2:
0x36: {  	(tag) =	ssettag $0x2  }
0x37: {  	s0 =	rddreg [dreg:$0x0];
	s2 =	stileid.u32  }
0x38: {  	s1 =	rddreg [dreg:$0x1];
	p0 =	sne.s32 s2, $0x0  }
0x39: {  	s3 =	rddreg [dreg:$0x2];
	[bflag:$0x3] =	sbarrier.arrive $0xFFFF;
	s2 =	simm.s32 @!p0 $0x1C01  }
0x3a: {  	[timem:s3], [sflag:s2] =	dma.local @!p0 [hbm:s0], s1  }
0x3b: {  	s0 =	simm.s32 @!p0 $0x1  }
0x3c: {  	_ =	swait.ge @!p0 [sflag:s0], s1  }
0x3d: {  	s1 =	ssub.s32 @!p0 $0x0, s1;
	[sflag:s0] =	ssyncset.done @!p0 $0x0  }
0x3e: {  	[sflag:s0] =	ssyncadd.s32 @!p0 s1  }
0x3f: {  	[bflag:$0x3] =	sbarrier.arrive $0xFFFF  }
0x40: {  	_ =	shalt  }

</sc_bundles>
